<compile_context>
chip_gen: v7x
topology: tpu7x:2x2x1
jax: 0.10.2.dev20260603
libtpu: 0.0.44.dev20260713+nightly
codegen_flags: <defaults>
</compile_context>

<pallas_src>
import jax
import jax.numpy as jnp
import numpy as np
from jax import lax
from jax.experimental import pallas as pl
from jax.experimental.pallas import tpu as pltpu
from jax.experimental.pallas import tpu_sc as plsc

N = 10000
E = 160000
D = 128

NC = 2
NS = 16
NT = NC * NS
L = 16

EDGES_PER_TILE = E // NT
CHUNK = 128
NCHUNK = (EDGES_PER_TILE + CHUNK - 1) // CHUNK

N_PAD = 10240
ROWS_PER_TILE = N_PAD // NS
ZROWS = 40


def _sc_body(feat_hbm, src_hbm, dst_hbm, out_hbm,
             accum, src2d, dst2d, rows_a, rows_b, zbuf,
             gsem_a, gsem_b):
    c = lax.axis_index("c")
    s = lax.axis_index("s")
    t = c * NS + s
    row0 = s * ROWS_PER_TILE

    z16 = jnp.zeros((L,), jnp.float32)

    def zfill(i, carry):
        for k in range(D // L):
            zbuf[i, pl.ds(k * L, L)] = z16
        return carry
    lax.fori_loop(0, ZROWS, zfill, 0)

    def zero_own_rows():
        def zcopy(k, carry):
            pltpu.sync_copy(zbuf, accum.at[pl.ds(row0 + k * ZROWS, ZROWS)])
            return carry
        lax.fori_loop(0, ROWS_PER_TILE // ZROWS, zcopy, 0)

    zero_own_rows()
    plsc.subcore_barrier()

    for r in range(3):
        pltpu.sync_copy(src_hbm.at[r, t], src2d)
        pltpu.sync_copy(dst_hbm.at[r, t], dst2d)

        def start_gather(j, buf, sem):
            pltpu.async_copy(feat_hbm.at[src2d.at[j]], buf, sem)

        def wait_gather(buf, sem):
            pltpu.make_async_copy(feat_hbm.at[src2d.at[0]], buf, sem).wait()

        def scatter(buf, j):
            pltpu.sync_copy(buf, accum.at[dst2d.at[j]], add=True)

        start_gather(0, rows_a, gsem_a)

        def slot(j, rows_c, sem_c, rows_n, sem_n):
            wait_gather(rows_c, sem_c)

            @pl.when(j + 1 < NCHUNK)
            def _():
                start_gather(j + 1, rows_n, sem_n)
            scatter(rows_c, j)

        def chunk_pair(i, carry):
            jj = 2 * i
            slot(jj, rows_a, gsem_a, rows_b, gsem_b)
            slot(jj + 1, rows_b, gsem_b, rows_a, gsem_a)
            return carry
        lax.fori_loop(0, NCHUNK // 2, chunk_pair, 0)

        plsc.subcore_barrier()
        oc = c * 3 + r
        sl = pl.ds(row0, ROWS_PER_TILE)
        pltpu.sync_copy(accum.at[sl], out_hbm.at[oc, sl])
        if r < 2:
            zero_own_rows()
        plsc.subcore_barrier()


NPAD_EDGES = NCHUNK * CHUNK - EDGES_PER_TILE

_DUMP_ROWS = (N + (np.arange(NT * NPAD_EDGES, dtype=np.int32)
                   % (N_PAD - N)).reshape(NT, NPAD_EDGES))


def _pad_idx(ei, pad_block):
    x = ei.reshape(NT, EDGES_PER_TILE)
    x = jnp.concatenate([x, pad_block], axis=1)
    return x.reshape(NT, NCHUNK, CHUNK)


_SRC_PAD = np.arange(NT * NPAD_EDGES, dtype=np.int32).reshape(NT, NPAD_EDGES) % N


def _sc_accumulate(features, ei0, ei1, ei2):
    spad = jnp.asarray(_SRC_PAD)
    dpad = jnp.asarray(_DUMP_ROWS)
    src = jnp.stack([_pad_idx(e[0], spad) for e in (ei0, ei1, ei2)])
    dst = jnp.stack([_pad_idx(e[1], dpad) for e in (ei0, ei1, ei2)])
    mesh = plsc.VectorSubcoreMesh(core_axis_name="c", subcore_axis_name="s",
                                  num_cores=NC, num_subcores=NS)
    return pl.kernel(
        _sc_body,
        out_type=jax.ShapeDtypeStruct((2 * 3, N_PAD, D), jnp.float32),
        mesh=mesh,
        scratch_types=[
            pltpu.VMEM_SHARED((N_PAD, D), jnp.float32),
            pltpu.VMEM((NCHUNK, CHUNK), jnp.int32),
            pltpu.VMEM((NCHUNK, CHUNK), jnp.int32),
            pltpu.VMEM((CHUNK, D), jnp.float32),
            pltpu.VMEM((CHUNK, D), jnp.float32),
            pltpu.VMEM((ZROWS, D), jnp.float32),
            pltpu.SemaphoreType.DMA,
            pltpu.SemaphoreType.DMA,
        ],
    )(features, src, dst)


BN = 1000


def _tc_body(p_ref, x_ref, w_ref, o_ref):
    a0 = p_ref[0] + p_ref[3]
    a1 = p_ref[1] + p_ref[4]
    a2 = p_ref[2] + p_ref[5]
    acc = jnp.dot(a0, w_ref[0], preferred_element_type=jnp.float32)
    acc = acc + jnp.dot(a1, w_ref[1], preferred_element_type=jnp.float32)
    acc = acc - jnp.dot(a2, w_ref[2], preferred_element_type=jnp.float32)
    acc = acc + jnp.dot(x_ref[...], w_ref[3], preferred_element_type=jnp.float32)
    o_ref[...] = jnp.maximum(acc, 0.0)


def _tc_finish(partials, features, wstk):
    return pl.pallas_call(
        _tc_body,
        out_shape=jax.ShapeDtypeStruct((N, D), jnp.float32),
        grid=(N // BN,),
        in_specs=[
            pl.BlockSpec((6, BN, D), lambda i: (0, i, 0)),
            pl.BlockSpec((BN, D), lambda i: (i, 0)),
            pl.BlockSpec((4, D, D), lambda i: (0, 0, 0)),
        ],
        out_specs=pl.BlockSpec((BN, D), lambda i: (i, 0)),
    )(partials, features, wstk)


def kernel(features, edge_index_rel0, edge_index_rel1, edge_index_rel2,
           W_rel0, W_rel1, W_rel2, W_self):
    partials = _sc_accumulate(features, edge_index_rel0, edge_index_rel1,
                              edge_index_rel2)
    wstk = jnp.stack([W_rel0, W_rel1, W_rel2, W_self])
    return _tc_finish(partials, features, wstk)

# --- scband reference (transcript-rebuilt; emitter-appended) ---
"""Pipeline reference for scband-rgcnlayer-17119739641937 (READ-ONLY COPY).

The authoritative reference and input builder live on the scoring server;
editing this copy changes nothing except your own understanding.
"""

import jax, jax.numpy as jnp
import numpy as np

N = 10000
E = 160000
D_IN = 128
D_OUT = 128

def setup_inputs(seed: int = 0) -> dict:
    key = jax.random.key(seed)
    ks = jax.random.split(key, 8)
    features = jax.random.normal(ks[0], (N, D_IN), dtype=jnp.float32)
    edge_index_rel0 = jax.random.randint(ks[1], (2, E), 0, N, dtype=jnp.int32)
    edge_index_rel1 = jax.random.randint(ks[2], (2, E), 0, N, dtype=jnp.int32)
    edge_index_rel2 = jax.random.randint(ks[3], (2, E), 0, N, dtype=jnp.int32)
    # Learned parameters: per-relation Linear (no bias) stored as [in, out], plus self-loop
    scale = 1.0 / np.sqrt(D_IN)
    W_rel0 = jax.random.uniform(ks[4], (D_IN, D_OUT), dtype=jnp.float32, minval=-scale, maxval=scale)
    W_rel1 = jax.random.uniform(ks[5], (D_IN, D_OUT), dtype=jnp.float32, minval=-scale, maxval=scale)
    W_rel2 = jax.random.uniform(ks[6], (D_IN, D_OUT), dtype=jnp.float32, minval=-scale, maxval=scale)
    W_self = jax.random.uniform(ks[7], (D_IN, D_OUT), dtype=jnp.float32, minval=-scale, maxval=scale)
    return {"features": features,
            "edge_index_rel0": edge_index_rel0,
            "edge_index_rel1": edge_index_rel1,
            "edge_index_rel2": edge_index_rel2,
            "W_rel0": W_rel0, "W_rel1": W_rel1, "W_rel2": W_rel2,
            "W_self": W_self}

def reference(features, edge_index_rel0, edge_index_rel1, edge_index_rel2,
              W_rel0, W_rel1, W_rel2, W_self):
    # RGCN layer: per-relation message = Linear_rel(src_feat), reduce = sum over dst.
    # aggregated = sum of all relations except subtract_rel, then subtract subtract_rel (rel2).
    def rel_message(edge_index, W):
        src = edge_index[0]
        dst = edge_index[1]
        msg = jnp.take(features, src, axis=0) @ W  # gather src features, then linear
        return jax.ops.segment_sum(msg, dst, num_segments=N)  # scatter-add to dst
    m0 = rel_message(edge_index_rel0, W_rel0)
    m1 = rel_message(edge_index_rel1, W_rel1)
    m2 = rel_message(edge_index_rel2, W_rel2)
    aggregated_msg = m0 + m1
    final_msg = aggregated_msg - m2
    h_self = features @ W_self
    h = final_msg + h_self
    return jax.nn.relu(h)

if __name__ == "__main__":
    import jax
    _d = setup_inputs()
    print(jax.jit(kernel)(*tuple(_d.values())))

</pallas_src>

<mosaic_0001>
#map = affine_map<(d0, d1) -> (0, 0)>
#map1 = affine_map<(d0, d1) -> (0, 0, 0, 0)>
#map2 = affine_map<(d0, d1) -> (0, 0, 0)>
module attributes {stable_mosaic.version = 14 : i64} {
  func.func @_sc_body(%arg0: i32, %arg1: i32, %arg2: memref<10000x128xf32, #tpu.memory_space<hbm>>, %arg3: memref<3x32x40x128xi32, #tpu.memory_space<hbm>>, %arg4: memref<3x32x40x128xi32, #tpu.memory_space<hbm>>, %arg5: memref<6x10240x128xf32, #tpu.memory_space<hbm>>, %arg6: memref<10240x128xf32, #tpu.memory_space<vmem_shared>>, %arg7: memref<40x128xi32, #tpu.memory_space<vmem>>, %arg8: memref<40x128xi32, #tpu.memory_space<vmem>>, %arg9: memref<128x128xf32, #tpu.memory_space<vmem>>, %arg10: memref<128x128xf32, #tpu.memory_space<vmem>>, %arg11: memref<40x128xf32, #tpu.memory_space<vmem>>, %arg12: memref<!tpu.dma_semaphore, #tpu.memory_space<semaphore_mem>>, %arg13: memref<!tpu.dma_semaphore, #tpu.memory_space<semaphore_mem>>) attributes {dimension_semantics = [#tpu.dimension_semantics<core_parallel>, #tpu.dimension_semantics<subcore_parallel>], iteration_bounds = array<i64: 2, 16>, scalar_prefetch = 0 : i64, scratch_operands = 8 : i64, tpu.core_type = #tpu.core_type<sc_vector_subcore>, window_params = [{transform_indices = #map}, {transform_indices = #map1}, {transform_indices = #map1}, {transform_indices = #map2}]} {
    %mul3A = arith.constant 16 : i32
    %mul3A_0 = arith.muli %arg0, %mul3A : i32
    %add3A = arith.addi %mul3A_0, %arg1 : i32
    %mul3A_1 = arith.constant 640 : i32
    %mul3A_2 = arith.muli %arg1, %mul3A_1 : i32
    %broadcast_in_dim3A = arith.constant 0.000000e+00 : f32
    %broadcast_in_dim3A_3 = vector.broadcast %broadcast_in_dim3A : f32 to vector<16xf32>
    %scan3A = arith.constant 0 : i32
    %scan3A_4 = arith.constant 0 : i32
    %scan3A_5 = arith.constant 40 : i32
    %scan3A_6 = arith.addi %scan3A_4, %scan3A_5 : i32
    %scan3A_7 = arith.constant 1 : i32
    scf.for %scan3A_88 = %scan3A_4 to %scan3A_6 step %scan3A_7  : i32 {
      %swap3A = arith.index_cast %scan3A_88 : i32 to index
      %swap3A_89 = arith.constant 0 : index
      %swap3A_90 = tpu.vector_load %arg11[%swap3A, %swap3A_89] {strides = array<i32>} : memref<40x128xf32, #tpu.memory_space<vmem>>, vector<1x16xf32>,
      %swap3A_91 = vector.shape_cast %swap3A_90 : vector<1x16xf32> to vector<16xf32>
      %swap3A_92 = vector.shape_cast %broadcast_in_dim3A_3 : vector<16xf32> to vector<1x16xf32>
      tpu.vector_store %arg11[%swap3A, %swap3A_89], %swap3A_92 {strides = array<i32>} : memref<40x128xf32, #tpu.memory_space<vmem>>, vector<1x16xf32>,
      %swap3A_93 = arith.index_cast %scan3A_88 : i32 to index
      %swap3A_94 = arith.constant 16 : index
      %swap3A_95 = tpu.vector_load %arg11[%swap3A_93, %swap3A_94] {strides = array<i32>} : memref<40x128xf32, #tpu.memory_space<vmem>>, vector<1x16xf32>,
      %swap3A_96 = vector.shape_cast %swap3A_95 : vector<1x16xf32> to vector<16xf32>
      %swap3A_97 = vector.shape_cast %broadcast_in_dim3A_3 : vector<16xf32> to vector<1x16xf32>
      tpu.vector_store %arg11[%swap3A_93, %swap3A_94], %swap3A_97 {strides = array<i32>} : memref<40x128xf32, #tpu.memory_space<vmem>>, vector<1x16xf32>,
      %swap3A_98 = arith.index_cast %scan3A_88 : i32 to index
      %swap3A_99 = arith.constant 32 : index
      %swap3A_100 = tpu.vector_load %arg11[%swap3A_98, %swap3A_99] {strides = array<i32>} : memref<40x128xf32, #tpu.memory_space<vmem>>, vector<1x16xf32>,
      %swap3A_101 = vector.shape_cast %swap3A_100 : vector<1x16xf32> to vector<16xf32>
      %swap3A_102 = vector.shape_cast %broadcast_in_dim3A_3 : vector<16xf32> to vector<1x16xf32>
      tpu.vector_store %arg11[%swap3A_98, %swap3A_99], %swap3A_102 {strides = array<i32>} : memref<40x128xf32, #tpu.memory_space<vmem>>, vector<1x16xf32>,
      %swap3A_103 = arith.index_cast %scan3A_88 : i32 to index
      %swap3A_104 = arith.constant 48 : index
      %swap3A_105 = tpu.vector_load %arg11[%swap3A_103, %swap3A_104] {strides = array<i32>} : memref<40x128xf32, #tpu.memory_space<vmem>>, vector<1x16xf32>,
      %swap3A_106 = vector.shape_cast %swap3A_105 : vector<1x16xf32> to vector<16xf32>
      %swap3A_107 = vector.shape_cast %broadcast_in_dim3A_3 : vector<16xf32> to vector<1x16xf32>
      tpu.vector_store %arg11[%swap3A_103, %swap3A_104], %swap3A_107 {strides = array<i32>} : memref<40x128xf32, #tpu.memory_space<vmem>>, vector<1x16xf32>,
      %swap3A_108 = arith.index_cast %scan3A_88 : i32 to index
      %swap3A_109 = arith.constant 64 : index
      %swap3A_110 = tpu.vector_load %arg11[%swap3A_108, %swap3A_109] {strides = array<i32>} : memref<40x128xf32, #tpu.memory_space<vmem>>, vector<1x16xf32>,
      %swap3A_111 = vector.shape_cast %swap3A_110 : vector<1x16xf32> to vector<16xf32>
      %swap3A_112 = vector.shape_cast %broadcast_in_dim3A_3 : vector<16xf32> to vector<1x16xf32>
      tpu.vector_store %arg11[%swap3A_108, %swap3A_109], %swap3A_112 {strides = array<i32>} : memref<40x128xf32, #tpu.memory_space<vmem>>, vector<1x16xf32>,
      %swap3A_113 = arith.index_cast %scan3A_88 : i32 to index
      %swap3A_114 = arith.constant 80 : index
      %swap3A_115 = tpu.vector_load %arg11[%swap3A_113, %swap3A_114] {strides = array<i32>} : memref<40x128xf32, #tpu.memory_space<vmem>>, vector<1x16xf32>,
      %swap3A_116 = vector.shape_cast %swap3A_115 : vector<1x16xf32> to vector<16xf32>
      %swap3A_117 = vector.shape_cast %broadcast_in_dim3A_3 : vector<16xf32> to vector<1x16xf32>
      tpu.vector_store %arg11[%swap3A_113, %swap3A_114], %swap3A_117 {strides = array<i32>} : memref<40x128xf32, #tpu.memory_space<vmem>>, vector<1x16xf32>,
      %swap3A_118 = arith.index_cast %scan3A_88 : i32 to index
      %swap3A_119 = arith.constant 96 : index
      %swap3A_120 = tpu.vector_load %arg11[%swap3A_118, %swap3A_119] {strides = array<i32>} : memref<40x128xf32, #tpu.memory_space<vmem>>, vector<1x16xf32>,
      %swap3A_121 = vector.shape_cast %swap3A_120 : vector<1x16xf32> to vector<16xf32>
      %swap3A_122 = vector.shape_cast %broadcast_in_dim3A_3 : vector<16xf32> to vector<1x16xf32>
      tpu.vector_store %arg11[%swap3A_118, %swap3A_119], %swap3A_122 {strides = array<i32>} : memref<40x128xf32, #tpu.memory_space<vmem>>, vector<1x16xf32>,
      %swap3A_123 = arith.index_cast %scan3A_88 : i32 to index
      %swap3A_124 = arith.constant 112 : index
      %swap3A_125 = tpu.vector_load %arg11[%swap3A_123, %swap3A_124] {strides = array<i32>} : memref<40x128xf32, #tpu.memory_space<vmem>>, vector<1x16xf32>,
      %swap3A_126 = vector.shape_cast %swap3A_125 : vector<1x16xf32> to vector<16xf32>
      %swap3A_127 = vector.shape_cast %broadcast_in_dim3A_3 : vector<16xf32> to vector<1x16xf32>
      tpu.vector_store %arg11[%swap3A_123, %swap3A_124], %swap3A_127 {strides = array<i32>} : memref<40x128xf32, #tpu.memory_space<vmem>>, vector<1x16xf32>,
    }
    %scan3A_8 = arith.constant 40 : i32
    %scan3A_9 = arith.constant 0 : i32
    %scan3A_10 = arith.constant 0 : i32
    %scan3A_11 = arith.constant 16 : i32
    %scan3A_12 = arith.addi %scan3A_10, %scan3A_11 : i32
    %scan3A_13 = arith.constant 1 : i32
    scf.for %scan3A_88 = %scan3A_10 to %scan3A_12 step %scan3A_13  : i32 {
      %mul3A_89 = arith.constant 40 : i32
      %mul3A_90 = arith.muli %scan3A_88, %mul3A_89 : i32
      %add3A_91 = arith.addi %mul3A_2, %mul3A_90 : i32
      "tpu.region"() ({
        %run_scoped3A_92 = tpu.sem_alloc : memref<!tpu.dma_semaphore, #tpu.memory_space<semaphore_mem>>
        %dma_start3A_93 = arith.constant 0 : i32
        %dma_start3A_94 = tpu.memref_slice %arg6[%add3A_91, %dma_start3A_93] : memref<10240x128xf32, #tpu.memory_space<vmem_shared>> -> memref<40x128xf32, #tpu.memory_space<vmem_shared>>
        %dma_start3A_95 = arith.constant 0 : i32
        %dma_start3A_96 = tpu.memref_slice %arg6[%add3A_91, %dma_start3A_95] : memref<10240x128xf32, #tpu.memory_space<vmem_shared>> -> memref<40x128xf32, #tpu.memory_space<vmem_shared>>
        tpu.enqueue_dma source(%arg11 : memref<40x128xf32, #tpu.memory_space<vmem>>) target(%dma_start3A_96 : memref<40x128xf32, #tpu.memory_space<vmem_shared>>) target_semaphore(%run_scoped3A_92 : memref<!tpu.dma_semaphore, #tpu.memory_space<semaphore_mem>>)
        %dma_wait3A = arith.constant 0 : i32
        %dma_wait3A_97 = tpu.memref_slice %arg6[%add3A_91, %dma_wait3A] : memref<10240x128xf32, #tpu.memory_space<vmem_shared>> -> memref<40x128xf32, #tpu.memory_space<vmem_shared>>
        %dma_wait3A_98 = arith.constant 0 : i32
        %dma_wait3A_99 = tpu.memref_slice %arg6[%add3A_91, %dma_wait3A_98] : memref<10240x128xf32, #tpu.memory_space<vmem_shared>> -> memref<40x128xf32, #tpu.memory_space<vmem_shared>>
        tpu.wait_dma2 semaphore(%run_scoped3A_92 : memref<!tpu.dma_semaphore, #tpu.memory_space<semaphore_mem>>) src(%arg11 : memref<40x128xf32, #tpu.memory_space<vmem>>) dst(%dma_wait3A_99 : memref<40x128xf32, #tpu.memory_space<vmem_shared>>)
        tpu.yield
      }) : () -> ()
    }
    %scan3A_14 = arith.constant 16 : i32
    %barrier3A = arith.constant 0 : index
    tpu.barrier barrier_id(%barrier3A)
    %run_scoped3A = arith.constant 0 : i32
    "tpu.region"() ({
      %run_scoped3A_88 = tpu.sem_alloc : memref<!tpu.dma_semaphore, #tpu.memory_space<semaphore_mem>>
      %dma_start3A_89 = arith.constant 0 : i32
      %dma_start3A_90 = arith.constant 0 : i32
      %dma_start3A_91 = tpu.memref_slice %arg3[%run_scoped3A, %add3A, %dma_start3A_89, %dma_start3A_90] : memref<3x32x40x128xi32, #tpu.memory_space<hbm>> -> memref<1x1x40x128xi32, #tpu.memory_space<hbm>>
      %dma_start3A_92 = tpu.memref_squeeze %dma_start3A_91 : memref<1x1x40x128xi32, #tpu.memory_space<hbm>> -> memref<40x128xi32, #tpu.memory_space<hbm>>
      %dma_start3A_93 = arith.constant 0 : i32
      %dma_start3A_94 = arith.constant 0 : i32
      %dma_start3A_95 = tpu.memref_slice %arg3[%run_scoped3A, %add3A, %dma_start3A_93, %dma_start3A_94] : memref<3x32x40x128xi32, #tpu.memory_space<hbm>> -> memref<1x1x40x128xi32, #tpu.memory_space<hbm>>
      %dma_start3A_96 = tpu.memref_squeeze %dma_start3A_95 : memref<1x1x40x128xi32, #tpu.memory_space<hbm>> -> memref<40x128xi32, #tpu.memory_space<hbm>>
      tpu.enqueue_dma source(%dma_start3A_96 : memref<40x128xi32, #tpu.memory_space<hbm>>) target(%arg7 : memref<40x128xi32, #tpu.memory_space<vmem>>) target_semaphore(%run_scoped3A_88 : memref<!tpu.dma_semaphore, #tpu.memory_space<semaphore_mem>>)
      %dma_wait3A = arith.constant 0 : i32
      %dma_wait3A_97 = arith.constant 0 : i32
      %dma_wait3A_98 = tpu.memref_slice %arg3[%run_scoped3A, %add3A, %dma_wait3A, %dma_wait3A_97] : memref<3x32x40x128xi32, #tpu.memory_space<hbm>> -> memref<1x1x40x128xi32, #tpu.memory_space<hbm>>
      %dma_wait3A_99 = tpu.memref_squeeze %dma_wait3A_98 : memref<1x1x40x128xi32, #tpu.memory_space<hbm>> -> memref<40x128xi32, #tpu.memory_space<hbm>>
      %dma_wait3A_100 = arith.constant 0 : i32
      %dma_wait3A_101 = arith.constant 0 : i32
      %dma_wait3A_102 = tpu.memref_slice %arg3[%run_scoped3A, %add3A, %dma_wait3A_100, %dma_wait3A_101] : memref<3x32x40x128xi32, #tpu.memory_space<hbm>> -> memref<1x1x40x128xi32, #tpu.memory_space<hbm>>
      %dma_wait3A_103 = tpu.memref_squeeze %dma_wait3A_102 : memref<1x1x40x128xi32, #tpu.memory_space<hbm>> -> memref<40x128xi32, #tpu.memory_space<hbm>>
      tpu.wait_dma2 semaphore(%run_scoped3A_88 : memref<!tpu.dma_semaphore, #tpu.memory_space<semaphore_mem>>) src(%dma_wait3A_103 : memref<40x128xi32, #tpu.memory_space<hbm>>) dst(%arg7 : memref<40x128xi32, #tpu.memory_space<vmem>>)
      tpu.yield
    }) : () -> ()
    %run_scoped3A_15 = arith.constant 0 : i32
    "tpu.region"() ({
      %run_scoped3A_88 = tpu.sem_alloc : memref<!tpu.dma_semaphore, #tpu.memory_space<semaphore_mem>>
      %dma_start3A_89 = arith.constant 0 : i32
      %dma_start3A_90 = arith.constant 0 : i32
      %dma_start3A_91 = tpu.memref_slice %arg4[%run_scoped3A_15, %add3A, %dma_start3A_89, %dma_start3A_90] : memref<3x32x40x128xi32, #tpu.memory_space<hbm>> -> memref<1x1x40x128xi32, #tpu.memory_space<hbm>>
      %dma_start3A_92 = tpu.memref_squeeze %dma_start3A_91 : memref<1x1x40x128xi32, #tpu.memory_space<hbm>> -> memref<40x128xi32, #tpu.memory_space<hbm>>
      %dma_start3A_93 = arith.constant 0 : i32
      %dma_start3A_94 = arith.constant 0 : i32
      %dma_start3A_95 = tpu.memref_slice %arg4[%run_scoped3A_15, %add3A, %dma_start3A_93, %dma_start3A_94] : memref<3x32x40x128xi32, #tpu.memory_space<hbm>> -> memref<1x1x40x128xi32, #tpu.memory_space<hbm>>
      %dma_start3A_96 = tpu.memref_squeeze %dma_start3A_95 : memref<1x1x40x128xi32, #tpu.memory_space<hbm>> -> memref<40x128xi32, #tpu.memory_space<hbm>>
      tpu.enqueue_dma source(%dma_start3A_96 : memref<40x128xi32, #tpu.memory_space<hbm>>) target(%arg8 : memref<40x128xi32, #tpu.memory_space<vmem>>) target_semaphore(%run_scoped3A_88 : memref<!tpu.dma_semaphore, #tpu.memory_space<semaphore_mem>>)
      %dma_wait3A = arith.constant 0 : i32
      %dma_wait3A_97 = arith.constant 0 : i32
      %dma_wait3A_98 = tpu.memref_slice %arg4[%run_scoped3A_15, %add3A, %dma_wait3A, %dma_wait3A_97] : memref<3x32x40x128xi32, #tpu.memory_space<hbm>> -> memref<1x1x40x128xi32, #tpu.memory_space<hbm>>
      %dma_wait3A_99 = tpu.memref_squeeze %dma_wait3A_98 : memref<1x1x40x128xi32, #tpu.memory_space<hbm>> -> memref<40x128xi32, #tpu.memory_space<hbm>>
      %dma_wait3A_100 = arith.constant 0 : i32
      %dma_wait3A_101 = arith.constant 0 : i32
      %dma_wait3A_102 = tpu.memref_slice %arg4[%run_scoped3A_15, %add3A, %dma_wait3A_100, %dma_wait3A_101] : memref<3x32x40x128xi32, #tpu.memory_space<hbm>> -> memref<1x1x40x128xi32, #tpu.memory_space<hbm>>
      %dma_wait3A_103 = tpu.memref_squeeze %dma_wait3A_102 : memref<1x1x40x128xi32, #tpu.memory_space<hbm>> -> memref<40x128xi32, #tpu.memory_space<hbm>>
      tpu.wait_dma2 semaphore(%run_scoped3A_88 : memref<!tpu.dma_semaphore, #tpu.memory_space<semaphore_mem>>) src(%dma_wait3A_103 : memref<40x128xi32, #tpu.memory_space<hbm>>) dst(%arg8 : memref<40x128xi32, #tpu.memory_space<vmem>>)
      tpu.yield
    }) : () -> ()
    %dma_start3A = arith.constant 0 : i32
    %dma_start3A_16 = arith.constant 0 : i32
    %dma_start3A_17 = tpu.memref_slice %arg7[%dma_start3A, %dma_start3A_16] : memref<40x128xi32, #tpu.memory_space<vmem>> -> memref<1x128xi32, #tpu.memory_space<vmem>>
    %dma_start3A_18 = tpu.memref_squeeze %dma_start3A_17 : memref<1x128xi32, #tpu.memory_space<vmem>> -> memref<128xi32, #tpu.memory_space<vmem>>
    %dma_start3A_19 = arith.constant 0 : i32
    %dma_start3A_20 = arith.constant 0 : i32
    %dma_start3A_21 = tpu.memref_slice %arg2[%dma_start3A_19, %dma_start3A_20] : memref<10000x128xf32, #tpu.memory_space<hbm>> -> memref<10000x128xf32, #tpu.memory_space<hbm>>
    tpu.enqueue_indirect_dma source(%dma_start3A_21 : memref<10000x128xf32, #tpu.memory_space<hbm>>) target(%arg9 : memref<128x128xf32, #tpu.memory_space<vmem>>) offsets(%dma_start3A_18 : memref<128xi32, #tpu.memory_space<vmem>>) semaphore(%arg12 : memref<!tpu.dma_semaphore, #tpu.memory_space<semaphore_mem>>)
    %scan3A_22 = arith.constant 0 : i32
    %scan3A_23 = arith.constant 0 : i32
    %scan3A_24 = arith.constant 20 : i32
    %scan3A_25 = arith.addi %scan3A_23, %scan3A_24 : i32
    %scan3A_26 = arith.constant 1 : i32
    scf.for %scan3A_88 = %scan3A_23 to %scan3A_25 step %scan3A_26  : i32 {
      %mul3A_89 = arith.constant 2 : i32
      %mul3A_90 = arith.muli %mul3A_89, %scan3A_88 : i32
      %dma_wait3A = arith.constant 0 : i32
      %dma_wait3A_91 = arith.constant 0 : i32
      %dma_wait3A_92 = tpu.memref_slice %arg7[%dma_wait3A, %dma_wait3A_91] : memref<40x128xi32, #tpu.memory_space<vmem>> -> memref<1x128xi32, #tpu.memory_space<vmem>>
      %dma_wait3A_93 = tpu.memref_squeeze %dma_wait3A_92 : memref<1x128xi32, #tpu.memory_space<vmem>> -> memref<128xi32, #tpu.memory_space<vmem>>
      %dma_wait3A_94 = arith.constant 0 : i32
      %dma_wait3A_95 = arith.constant 0 : i32
      %dma_wait3A_96 = tpu.memref_slice %arg2[%dma_wait3A_94, %dma_wait3A_95] : memref<10000x128xf32, #tpu.memory_space<hbm>> -> memref<10000x128xf32, #tpu.memory_space<hbm>>
      tpu.wait_indirect_dma semaphore(%arg12 : memref<!tpu.dma_semaphore, #tpu.memory_space<semaphore_mem>>) src(%dma_wait3A_96 : memref<10000x128xf32, #tpu.memory_space<hbm>>) dst(%arg9 : memref<128x128xf32, #tpu.memory_space<vmem>>)
      %add3A_97 = arith.constant 1 : i32
      %add3A_98 = arith.addi %mul3A_90, %add3A_97 : i32
      %lt3A = arith.constant 40 : i32
      %lt3A_99 = arith.cmpi slt, %add3A_98, %lt3A : i32
      %convert_element_type3A = arith.extui %lt3A_99 : i1 to i32
      %cond3A = arith.constant 0 : i32
      %cond3A_100 = arith.cmpi ne, %convert_element_type3A, %cond3A : i32
      scf.if %cond3A_100 {
        %add3A_117 = arith.constant 1 : i32
        %add3A_118 = arith.addi %mul3A_90, %add3A_117 : i32
        %dma_start3A_119 = arith.constant 0 : i32
        %dma_start3A_120 = tpu.memref_slice %arg7[%add3A_118, %dma_start3A_119] : memref<40x128xi32, #tpu.memory_space<vmem>> -> memref<1x128xi32, #tpu.memory_space<vmem>>
        %dma_start3A_121 = tpu.memref_squeeze %dma_start3A_120 : memref<1x128xi32, #tpu.memory_space<vmem>> -> memref<128xi32, #tpu.memory_space<vmem>>
        %dma_start3A_122 = arith.constant 0 : i32
        %dma_start3A_123 = arith.constant 0 : i32
        %dma_start3A_124 = tpu.memref_slice %arg2[%dma_start3A_122, %dma_start3A_123] : memref<10000x128xf32, #tpu.memory_space<hbm>> -> memref<10000x128xf32, #tpu.memory_space<hbm>>
        tpu.enqueue_indirect_dma source(%dma_start3A_124 : memref<10000x128xf32, #tpu.memory_space<hbm>>) target(%arg10 : memref<128x128xf32, #tpu.memory_space<vmem>>) offsets(%dma_start3A_121 : memref<128xi32, #tpu.memory_space<vmem>>) semaphore(%arg13 : memref<!tpu.dma_semaphore, #tpu.memory_space<semaphore_mem>>)
      } else {
      }
      "tpu.region"() ({
        %run_scoped3A_117 = tpu.sem_alloc : memref<!tpu.dma_semaphore, #tpu.memory_space<semaphore_mem>>
        %dma_start3A_118 = arith.constant 0 : i32
        %dma_start3A_119 = tpu.memref_slice %arg8[%mul3A_90, %dma_start3A_118] : memref<40x128xi32, #tpu.memory_space<vmem>> -> memref<1x128xi32, #tpu.memory_space<vmem>>
        %dma_start3A_120 = tpu.memref_squeeze %dma_start3A_119 : memref<1x128xi32, #tpu.memory_space<vmem>> -> memref<128xi32, #tpu.memory_space<vmem>>
        %dma_start3A_121 = arith.constant 0 : i32
        %dma_start3A_122 = arith.constant 0 : i32
        %dma_start3A_123 = tpu.memref_slice %arg6[%dma_start3A_121, %dma_start3A_122] : memref<10240x128xf32, #tpu.memory_space<vmem_shared>> -> memref<10240x128xf32, #tpu.memory_space<vmem_shared>>
        tpu.enqueue_indirect_dma source(%arg9 : memref<128x128xf32, #tpu.memory_space<vmem>>) target(%dma_start3A_123 : memref<10240x128xf32, #tpu.memory_space<vmem_shared>>) offsets(%dma_start3A_120 : memref<128xi32, #tpu.memory_space<vmem>>) semaphore(%run_scoped3A_117 : memref<!tpu.dma_semaphore, #tpu.memory_space<semaphore_mem>>) {add = true}
        %dma_wait3A_124 = arith.constant 0 : i32
        %dma_wait3A_125 = tpu.memref_slice %arg8[%mul3A_90, %dma_wait3A_124] : memref<40x128xi32, #tpu.memory_space<vmem>> -> memref<1x128xi32, #tpu.memory_space<vmem>>
        %dma_wait3A_126 = tpu.memref_squeeze %dma_wait3A_125 : memref<1x128xi32, #tpu.memory_space<vmem>> -> memref<128xi32, #tpu.memory_space<vmem>>
        %dma_wait3A_127 = arith.constant 0 : i32
        %dma_wait3A_128 = arith.constant 0 : i32
        %dma_wait3A_129 = tpu.memref_slice %arg6[%dma_wait3A_127, %dma_wait3A_128] : memref<10240x128xf32, #tpu.memory_space<vmem_shared>> -> memref<10240x128xf32, #tpu.memory_space<vmem_shared>>
        tpu.wait_indirect_dma semaphore(%run_scoped3A_117 : memref<!tpu.dma_semaphore, #tpu.memory_space<semaphore_mem>>) src(%arg9 : memref<128x128xf32, #tpu.memory_space<vmem>>) dst(%dma_wait3A_129 : memref<10240x128xf32, #tpu.memory_space<vmem_shared>>)
        tpu.yield
      }) : () -> ()
      %add3A_101 = arith.constant 1 : i32
      %add3A_102 = arith.addi %mul3A_90, %add3A_101 : i32
      %dma_wait3A_103 = arith.constant 0 : i32
      %dma_wait3A_104 = arith.constant 0 : i32
      %dma_wait3A_105 = tpu.memref_slice %arg7[%dma_wait3A_103, %dma_wait3A_104] : memref<40x128xi32, #tpu.memory_space<vmem>> -> memref<1x128xi32, #tpu.memory_space<vmem>>
      %dma_wait3A_106 = tpu.memref_squeeze %dma_wait3A_105 : memref<1x128xi32, #tpu.memory_space<vmem>> -> memref<128xi32, #tpu.memory_space<vmem>>
      %dma_wait3A_107 = arith.constant 0 : i32
      %dma_wait3A_108 = arith.constant 0 : i32
      %dma_wait3A_109 = tpu.memref_slice %arg2[%dma_wait3A_107, %dma_wait3A_108] : memref<10000x128xf32, #tpu.memory_space<hbm>> -> memref<10000x128xf32, #tpu.memory_space<hbm>>
      tpu.wait_indirect_dma semaphore(%arg13 : memref<!tpu.dma_semaphore, #tpu.memory_space<semaphore_mem>>) src(%dma_wait3A_109 : memref<10000x128xf32, #tpu.memory_space<hbm>>) dst(%arg10 : memref<128x128xf32, #tpu.memory_space<vmem>>)
      %add3A_110 = arith.constant 1 : i32
      %add3A_111 = arith.addi %add3A_102, %add3A_110 : i32
      %lt3A_112 = arith.constant 40 : i32
      %lt3A_113 = arith.cmpi slt, %add3A_111, %lt3A_112 : i32
      %convert_element_type3A_114 = arith.extui %lt3A_113 : i1 to i32
      %cond3A_115 = arith.constant 0 : i32
      %cond3A_116 = arith.cmpi ne, %convert_element_type3A_114, %cond3A_115 : i32
      scf.if %cond3A_116 {
        %add3A_117 = arith.constant 1 : i32
        %add3A_118 = arith.addi %add3A_102, %add3A_117 : i32
        %dma_start3A_119 = arith.constant 0 : i32
        %dma_start3A_120 = tpu.memref_slice %arg7[%add3A_118, %dma_start3A_119] : memref<40x128xi32, #tpu.memory_space<vmem>> -> memref<1x128xi32, #tpu.memory_space<vmem>>
        %dma_start3A_121 = tpu.memref_squeeze %dma_start3A_120 : memref<1x128xi32, #tpu.memory_space<vmem>> -> memref<128xi32, #tpu.memory_space<vmem>>
        %dma_start3A_122 = arith.constant 0 : i32
        %dma_start3A_123 = arith.constant 0 : i32
        %dma_start3A_124 = tpu.memref_slice %arg2[%dma_start3A_122, %dma_start3A_123] : memref<10000x128xf32, #tpu.memory_space<hbm>> -> memref<10000x128xf32, #tpu.memory_space<hbm>>
        tpu.enqueue_indirect_dma source(%dma_start3A_124 : memref<10000x128xf32, #tpu.memory_space<hbm>>) target(%arg9 : memref<128x128xf32, #tpu.memory_space<vmem>>) offsets(%dma_start3A_121 : memref<128xi32, #tpu.memory_space<vmem>>) semaphore(%arg12 : memref<!tpu.dma_semaphore, #tpu.memory_space<semaphore_mem>>)
      } else {
      }
      "tpu.region"() ({
        %run_scoped3A_117 = tpu.sem_alloc : memref<!tpu.dma_semaphore, #tpu.memory_space<semaphore_mem>>
        %dma_start3A_118 = arith.constant 0 : i32
        %dma_start3A_119 = tpu.memref_slice %arg8[%add3A_102, %dma_start3A_118] : memref<40x128xi32, #tpu.memory_space<vmem>> -> memref<1x128xi32, #tpu.memory_space<vmem>>
        %dma_start3A_120 = tpu.memref_squeeze %dma_start3A_119 : memref<1x128xi32, #tpu.memory_space<vmem>> -> memref<128xi32, #tpu.memory_space<vmem>>
        %dma_start3A_121 = arith.constant 0 : i32
        %dma_start3A_122 = arith.constant 0 : i32
        %dma_start3A_123 = tpu.memref_slice %arg6[%dma_start3A_121, %dma_start3A_122] : memref<10240x128xf32, #tpu.memory_space<vmem_shared>> -> memref<10240x128xf32, #tpu.memory_space<vmem_shared>>
        tpu.enqueue_indirect_dma source(%arg10 : memref<128x128xf32, #tpu.memory_space<vmem>>) target(%dma_start3A_123 : memref<10240x128xf32, #tpu.memory_space<vmem_shared>>) offsets(%dma_start3A_120 : memref<128xi32, #tpu.memory_space<vmem>>) semaphore(%run_scoped3A_117 : memref<!tpu.dma_semaphore, #tpu.memory_space<semaphore_mem>>) {add = true}
        %dma_wait3A_124 = arith.constant 0 : i32
        %dma_wait3A_125 = tpu.memref_slice %arg8[%add3A_102, %dma_wait3A_124] : memref<40x128xi32, #tpu.memory_space<vmem>> -> memref<1x128xi32, #tpu.memory_space<vmem>>
        %dma_wait3A_126 = tpu.memref_squeeze %dma_wait3A_125 : memref<1x128xi32, #tpu.memory_space<vmem>> -> memref<128xi32, #tpu.memory_space<vmem>>
        %dma_wait3A_127 = arith.constant 0 : i32
        %dma_wait3A_128 = arith.constant 0 : i32
        %dma_wait3A_129 = tpu.memref_slice %arg6[%dma_wait3A_127, %dma_wait3A_128] : memref<10240x128xf32, #tpu.memory_space<vmem_shared>> -> memref<10240x128xf32, #tpu.memory_space<vmem_shared>>
        tpu.wait_indirect_dma semaphore(%run_scoped3A_117 : memref<!tpu.dma_semaphore, #tpu.memory_space<semaphore_mem>>) src(%arg10 : memref<128x128xf32, #tpu.memory_space<vmem>>) dst(%dma_wait3A_129 : memref<10240x128xf32, #tpu.memory_space<vmem_shared>>)
        tpu.yield
      }) : () -> ()
    }
    %scan3A_27 = arith.constant 20 : i32
    %barrier3A_28 = arith.constant 0 : index
    tpu.barrier barrier_id(%barrier3A_28)
    %mul3A_29 = arith.constant 3 : i32
    %mul3A_30 = arith.muli %arg0, %mul3A_29 : i32
    %add3A_31 = arith.constant 0 : i32
    %add3A_32 = arith.addi %mul3A_30, %add3A_31 : i32
    "tpu.region"() ({
      %run_scoped3A_88 = tpu.sem_alloc : memref<!tpu.dma_semaphore, #tpu.memory_space<semaphore_mem>>
      %dma_start3A_89 = arith.constant 0 : i32
      %dma_start3A_90 = tpu.memref_slice %arg5[%add3A_32, %mul3A_2, %dma_start3A_89] : memref<6x10240x128xf32, #tpu.memory_space<hbm>> -> memref<1x640x128xf32, #tpu.memory_space<hbm>>
      %dma_start3A_91 = tpu.memref_squeeze %dma_start3A_90 : memref<1x640x128xf32, #tpu.memory_space<hbm>> -> memref<640x128xf32, #tpu.memory_space<hbm>>
      %dma_start3A_92 = arith.constant 0 : i32
      %dma_start3A_93 = tpu.memref_slice %arg6[%mul3A_2, %dma_start3A_92] : memref<10240x128xf32, #tpu.memory_space<vmem_shared>> -> memref<640x128xf32, #tpu.memory_space<vmem_shared>>
      tpu.enqueue_dma source(%dma_start3A_93 : memref<640x128xf32, #tpu.memory_space<vmem_shared>>) target(%dma_start3A_91 : memref<640x128xf32, #tpu.memory_space<hbm>>) target_semaphore(%run_scoped3A_88 : memref<!tpu.dma_semaphore, #tpu.memory_space<semaphore_mem>>)
      %dma_wait3A = arith.constant 0 : i32
      %dma_wait3A_94 = tpu.memref_slice %arg5[%add3A_32, %mul3A_2, %dma_wait3A] : memref<6x10240x128xf32, #tpu.memory_space<hbm>> -> memref<1x640x128xf32, #tpu.memory_space<hbm>>
      %dma_wait3A_95 = tpu.memref_squeeze %dma_wait3A_94 : memref<1x640x128xf32, #tpu.memory_space<hbm>> -> memref<640x128xf32, #tpu.memory_space<hbm>>
      %dma_wait3A_96 = arith.constant 0 : i32
      %dma_wait3A_97 = tpu.memref_slice %arg6[%mul3A_2, %dma_wait3A_96] : memref<10240x128xf32, #tpu.memory_space<vmem_shared>> -> memref<640x128xf32, #tpu.memory_space<vmem_shared>>
      tpu.wait_dma2 semaphore(%run_scoped3A_88 : memref<!tpu.dma_semaphore, #tpu.memory_space<semaphore_mem>>) src(%dma_wait3A_97 : memref<640x128xf32, #tpu.memory_space<vmem_shared>>) dst(%dma_wait3A_95 : memref<640x128xf32, #tpu.memory_space<hbm>>)
      tpu.yield
    }) : () -> ()
    %scan3A_33 = arith.constant 0 : i32
    %scan3A_34 = arith.constant 0 : i32
    %scan3A_35 = arith.constant 16 : i32
    %scan3A_36 = arith.addi %scan3A_34, %scan3A_35 : i32
    %scan3A_37 = arith.constant 1 : i32
    scf.for %scan3A_88 = %scan3A_34 to %scan3A_36 step %scan3A_37  : i32 {
      %mul3A_89 = arith.constant 40 : i32
      %mul3A_90 = arith.muli %scan3A_88, %mul3A_89 : i32
      %add3A_91 = arith.addi %mul3A_2, %mul3A_90 : i32
      "tpu.region"() ({
        %run_scoped3A_92 = tpu.sem_alloc : memref<!tpu.dma_semaphore, #tpu.memory_space<semaphore_mem>>
        %dma_start3A_93 = arith.constant 0 : i32
        %dma_start3A_94 = tpu.memref_slice %arg6[%add3A_91, %dma_start3A_93] : memref<10240x128xf32, #tpu.memory_space<vmem_shared>> -> memref<40x128xf32, #tpu.memory_space<vmem_shared>>
        %dma_start3A_95 = arith.constant 0 : i32
        %dma_start3A_96 = tpu.memref_slice %arg6[%add3A_91, %dma_start3A_95] : memref<10240x128xf32, #tpu.memory_space<vmem_shared>> -> memref<40x128xf32, #tpu.memory_space<vmem_shared>>
        tpu.enqueue_dma source(%arg11 : memref<40x128xf32, #tpu.memory_space<vmem>>) target(%dma_start3A_96 : memref<40x128xf32, #tpu.memory_space<vmem_shared>>) target_semaphore(%run_scoped3A_92 : memref<!tpu.dma_semaphore, #tpu.memory_space<semaphore_mem>>)
        %dma_wait3A = arith.constant 0 : i32
        %dma_wait3A_97 = tpu.memref_slice %arg6[%add3A_91, %dma_wait3A] : memref<10240x128xf32, #tpu.memory_space<vmem_shared>> -> memref<40x128xf32, #tpu.memory_space<vmem_shared>>
        %dma_wait3A_98 = arith.constant 0 : i32
        %dma_wait3A_99 = tpu.memref_slice %arg6[%add3A_91, %dma_wait3A_98] : memref<10240x128xf32, #tpu.memory_space<vmem_shared>> -> memref<40x128xf32, #tpu.memory_space<vmem_shared>>
        tpu.wait_dma2 semaphore(%run_scoped3A_92 : memref<!tpu.dma_semaphore, #tpu.memory_space<semaphore_mem>>) src(%arg11 : memref<40x128xf32, #tpu.memory_space<vmem>>) dst(%dma_wait3A_99 : memref<40x128xf32, #tpu.memory_space<vmem_shared>>)
        tpu.yield
      }) : () -> ()
    }
    %scan3A_38 = arith.constant 16 : i32
    %barrier3A_39 = arith.constant 0 : index
    tpu.barrier barrier_id(%barrier3A_39)
    %run_scoped3A_40 = arith.constant 1 : i32
    "tpu.region"() ({
      %run_scoped3A_88 = tpu.sem_alloc : memref<!tpu.dma_semaphore, #tpu.memory_space<semaphore_mem>>
      %dma_start3A_89 = arith.constant 0 : i32
      %dma_start3A_90 = arith.constant 0 : i32
      %dma_start3A_91 = tpu.memref_slice %arg3[%run_scoped3A_40, %add3A, %dma_start3A_89, %dma_start3A_90] : memref<3x32x40x128xi32, #tpu.memory_space<hbm>> -> memref<1x1x40x128xi32, #tpu.memory_space<hbm>>
      %dma_start3A_92 = tpu.memref_squeeze %dma_start3A_91 : memref<1x1x40x128xi32, #tpu.memory_space<hbm>> -> memref<40x128xi32, #tpu.memory_space<hbm>>
      %dma_start3A_93 = arith.constant 0 : i32
      %dma_start3A_94 = arith.constant 0 : i32
      %dma_start3A_95 = tpu.memref_slice %arg3[%run_scoped3A_40, %add3A, %dma_start3A_93, %dma_start3A_94] : memref<3x32x40x128xi32, #tpu.memory_space<hbm>> -> memref<1x1x40x128xi32, #tpu.memory_space<hbm>>
      %dma_start3A_96 = tpu.memref_squeeze %dma_start3A_95 : memref<1x1x40x128xi32, #tpu.memory_space<hbm>> -> memref<40x128xi32, #tpu.memory_space<hbm>>
      tpu.enqueue_dma source(%dma_start3A_96 : memref<40x128xi32, #tpu.memory_space<hbm>>) target(%arg7 : memref<40x128xi32, #tpu.memory_space<vmem>>) target_semaphore(%run_scoped3A_88 : memref<!tpu.dma_semaphore, #tpu.memory_space<semaphore_mem>>)
      %dma_wait3A = arith.constant 0 : i32
      %dma_wait3A_97 = arith.constant 0 : i32
      %dma_wait3A_98 = tpu.memref_slice %arg3[%run_scoped3A_40, %add3A, %dma_wait3A, %dma_wait3A_97] : memref<3x32x40x128xi32, #tpu.memory_space<hbm>> -> memref<1x1x40x128xi32, #tpu.memory_space<hbm>>
      %dma_wait3A_99 = tpu.memref_squeeze %dma_wait3A_98 : memref<1x1x40x128xi32, #tpu.memory_space<hbm>> -> memref<40x128xi32, #tpu.memory_space<hbm>>
      %dma_wait3A_100 = arith.constant 0 : i32
      %dma_wait3A_101 = arith.constant 0 : i32
      %dma_wait3A_102 = tpu.memref_slice %arg3[%run_scoped3A_40, %add3A, %dma_wait3A_100, %dma_wait3A_101] : memref<3x32x40x128xi32, #tpu.memory_space<hbm>> -> memref<1x1x40x128xi32, #tpu.memory_space<hbm>>
      %dma_wait3A_103 = tpu.memref_squeeze %dma_wait3A_102 : memref<1x1x40x128xi32, #tpu.memory_space<hbm>> -> memref<40x128xi32, #tpu.memory_space<hbm>>
      tpu.wait_dma2 semaphore(%run_scoped3A_88 : memref<!tpu.dma_semaphore, #tpu.memory_space<semaphore_mem>>) src(%dma_wait3A_103 : memref<40x128xi32, #tpu.memory_space<hbm>>) dst(%arg7 : memref<40x128xi32, #tpu.memory_space<vmem>>)
      tpu.yield
    }) : () -> ()
    %run_scoped3A_41 = arith.constant 1 : i32
    "tpu.region"() ({
      %run_scoped3A_88 = tpu.sem_alloc : memref<!tpu.dma_semaphore, #tpu.memory_space<semaphore_mem>>
      %dma_start3A_89 = arith.constant 0 : i32
      %dma_start3A_90 = arith.constant 0 : i32
      %dma_start3A_91 = tpu.memref_slice %arg4[%run_scoped3A_41, %add3A, %dma_start3A_89, %dma_start3A_90] : memref<3x32x40x128xi32, #tpu.memory_space<hbm>> -> memref<1x1x40x128xi32, #tpu.memory_space<hbm>>
      %dma_start3A_92 = tpu.memref_squeeze %dma_start3A_91 : memref<1x1x40x128xi32, #tpu.memory_space<hbm>> -> memref<40x128xi32, #tpu.memory_space<hbm>>
      %dma_start3A_93 = arith.constant 0 : i32
      %dma_start3A_94 = arith.constant 0 : i32
      %dma_start3A_95 = tpu.memref_slice %arg4[%run_scoped3A_41, %add3A, %dma_start3A_93, %dma_start3A_94] : memref<3x32x40x128xi32, #tpu.memory_space<hbm>> -> memref<1x1x40x128xi32, #tpu.memory_space<hbm>>
      %dma_start3A_96 = tpu.memref_squeeze %dma_start3A_95 : memref<1x1x40x128xi32, #tpu.memory_space<hbm>> -> memref<40x128xi32, #tpu.memory_space<hbm>>
      tpu.enqueue_dma source(%dma_start3A_96 : memref<40x128xi32, #tpu.memory_space<hbm>>) target(%arg8 : memref<40x128xi32, #tpu.memory_space<vmem>>) target_semaphore(%run_scoped3A_88 : memref<!tpu.dma_semaphore, #tpu.memory_space<semaphore_mem>>)
      %dma_wait3A = arith.constant 0 : i32
      %dma_wait3A_97 = arith.constant 0 : i32
      %dma_wait3A_98 = tpu.memref_slice %arg4[%run_scoped3A_41, %add3A, %dma_wait3A, %dma_wait3A_97] : memref<3x32x40x128xi32, #tpu.memory_space<hbm>> -> memref<1x1x40x128xi32, #tpu.memory_space<hbm>>
      %dma_wait3A_99 = tpu.memref_squeeze %dma_wait3A_98 : memref<1x1x40x128xi32, #tpu.memory_space<hbm>> -> memref<40x128xi32, #tpu.memory_space<hbm>>
      %dma_wait3A_100 = arith.constant 0 : i32
      %dma_wait3A_101 = arith.constant 0 : i32
      %dma_wait3A_102 = tpu.memref_slice %arg4[%run_scoped3A_41, %add3A, %dma_wait3A_100, %dma_wait3A_101] : memref<3x32x40x128xi32, #tpu.memory_space<hbm>> -> memref<1x1x40x128xi32, #tpu.memory_space<hbm>>
      %dma_wait3A_103 = tpu.memref_squeeze %dma_wait3A_102 : memref<1x1x40x128xi32, #tpu.memory_space<hbm>> -> memref<40x128xi32, #tpu.memory_space<hbm>>
      tpu.wait_dma2 semaphore(%run_scoped3A_88 : memref<!tpu.dma_semaphore, #tpu.memory_space<semaphore_mem>>) src(%dma_wait3A_103 : memref<40x128xi32, #tpu.memory_space<hbm>>) dst(%arg8 : memref<40x128xi32, #tpu.memory_space<vmem>>)
      tpu.yield
    }) : () -> ()
    %dma_start3A_42 = arith.constant 0 : i32
    %dma_start3A_43 = arith.constant 0 : i32
    %dma_start3A_44 = tpu.memref_slice %arg7[%dma_start3A_42, %dma_start3A_43] : memref<40x128xi32, #tpu.memory_space<vmem>> -> memref<1x128xi32, #tpu.memory_space<vmem>>
    %dma_start3A_45 = tpu.memref_squeeze %dma_start3A_44 : memref<1x128xi32, #tpu.memory_space<vmem>> -> memref<128xi32, #tpu.memory_space<vmem>>
    %dma_start3A_46 = arith.constant 0 : i32
    %dma_start3A_47 = arith.constant 0 : i32
    %dma_start3A_48 = tpu.memref_slice %arg2[%dma_start3A_46, %dma_start3A_47] : memref<10000x128xf32, #tpu.memory_space<hbm>> -> memref<10000x128xf32, #tpu.memory_space<hbm>>
    tpu.enqueue_indirect_dma source(%dma_start3A_48 : memref<10000x128xf32, #tpu.memory_space<hbm>>) target(%arg9 : memref<128x128xf32, #tpu.memory_space<vmem>>) offsets(%dma_start3A_45 : memref<128xi32, #tpu.memory_space<vmem>>) semaphore(%arg12 : memref<!tpu.dma_semaphore, #tpu.memory_space<semaphore_mem>>)
    %scan3A_49 = arith.constant 0 : i32
    %scan3A_50 = arith.constant 0 : i32
    %scan3A_51 = arith.constant 20 : i32
    %scan3A_52 = arith.addi %scan3A_50, %scan3A_51 : i32
    %scan3A_53 = arith.constant 1 : i32
    scf.for %scan3A_88 = %scan3A_50 to %scan3A_52 step %scan3A_53  : i32 {
      %mul3A_89 = arith.constant 2 : i32
      %mul3A_90 = arith.muli %mul3A_89, %scan3A_88 : i32
      %dma_wait3A = arith.constant 0 : i32
      %dma_wait3A_91 = arith.constant 0 : i32
      %dma_wait3A_92 = tpu.memref_slice %arg7[%dma_wait3A, %dma_wait3A_91] : memref<40x128xi32, #tpu.memory_space<vmem>> -> memref<1x128xi32, #tpu.memory_space<vmem>>
      %dma_wait3A_93 = tpu.memref_squeeze %dma_wait3A_92 : memref<1x128xi32, #tpu.memory_space<vmem>> -> memref<128xi32, #tpu.memory_space<vmem>>
      %dma_wait3A_94 = arith.constant 0 : i32
      %dma_wait3A_95 = arith.constant 0 : i32
      %dma_wait3A_96 = tpu.memref_slice %arg2[%dma_wait3A_94, %dma_wait3A_95] : memref<10000x128xf32, #tpu.memory_space<hbm>> -> memref<10000x128xf32, #tpu.memory_space<hbm>>
      tpu.wait_indirect_dma semaphore(%arg12 : memref<!tpu.dma_semaphore, #tpu.memory_space<semaphore_mem>>) src(%dma_wait3A_96 : memref<10000x128xf32, #tpu.memory_space<hbm>>) dst(%arg9 : memref<128x128xf32, #tpu.memory_space<vmem>>)
      %add3A_97 = arith.constant 1 : i32
      %add3A_98 = arith.addi %mul3A_90, %add3A_97 : i32
      %lt3A = arith.constant 40 : i32
      %lt3A_99 = arith.cmpi slt, %add3A_98, %lt3A : i32
      %convert_element_type3A = arith.extui %lt3A_99 : i1 to i32
      %cond3A = arith.constant 0 : i32
      %cond3A_100 = arith.cmpi ne, %convert_element_type3A, %cond3A : i32
      scf.if %cond3A_100 {
        %add3A_117 = arith.constant 1 : i32
        %add3A_118 = arith.addi %mul3A_90, %add3A_117 : i32
        %dma_start3A_119 = arith.constant 0 : i32
        %dma_start3A_120 = tpu.memref_slice %arg7[%add3A_118, %dma_start3A_119] : memref<40x128xi32, #tpu.memory_space<vmem>> -> memref<1x128xi32, #tpu.memory_space<vmem>>
        %dma_start3A_121 = tpu.memref_squeeze %dma_start3A_120 : memref<1x128xi32, #tpu.memory_space<vmem>> -> memref<128xi32, #tpu.memory_space<vmem>>
        %dma_start3A_122 = arith.constant 0 : i32
        %dma_start3A_123 = arith.constant 0 : i32
        %dma_start3A_124 = tpu.memref_slice %arg2[%dma_start3A_122, %dma_start3A_123] : memref<10000x128xf32, #tpu.memory_space<hbm>> -> memref<10000x128xf32, #tpu.memory_space<hbm>>
        tpu.enqueue_indirect_dma source(%dma_start3A_124 : memref<10000x128xf32, #tpu.memory_space<hbm>>) target(%arg10 : memref<128x128xf32, #tpu.memory_space<vmem>>) offsets(%dma_start3A_121 : memref<128xi32, #tpu.memory_space<vmem>>) semaphore(%arg13 : memref<!tpu.dma_semaphore, #tpu.memory_space<semaphore_mem>>)
      } else {
      }
      "tpu.region"() ({
        %run_scoped3A_117 = tpu.sem_alloc : memref<!tpu.dma_semaphore, #tpu.memory_space<semaphore_mem>>
        %dma_start3A_118 = arith.constant 0 : i32
        %dma_start3A_119 = tpu.memref_slice %arg8[%mul3A_90, %dma_start3A_118] : memref<40x128xi32, #tpu.memory_space<vmem>> -> memref<1x128xi32, #tpu.memory_space<vmem>>
        %dma_start3A_120 = tpu.memref_squeeze %dma_start3A_119 : memref<1x128xi32, #tpu.memory_space<vmem>> -> memref<128xi32, #tpu.memory_space<vmem>>
        %dma_start3A_121 = arith.constant 0 : i32
        %dma_start3A_122 = arith.constant 0 : i32
        %dma_start3A_123 = tpu.memref_slice %arg6[%dma_start3A_121, %dma_start3A_122] : memref<10240x128xf32, #tpu.memory_space<vmem_shared>> -> memref<10240x128xf32, #tpu.memory_space<vmem_shared>>
        tpu.enqueue_indirect_dma source(%arg9 : memref<128x128xf32, #tpu.memory_space<vmem>>) target(%dma_start3A_123 : memref<10240x128xf32, #tpu.memory_space<vmem_shared>>) offsets(%dma_start3A_120 : memref<128xi32, #tpu.memory_space<vmem>>) semaphore(%run_scoped3A_117 : memref<!tpu.dma_semaphore, #tpu.memory_space<semaphore_mem>>) {add = true}
        %dma_wait3A_124 = arith.constant 0 : i32
        %dma_wait3A_125 = tpu.memref_slice %arg8[%mul3A_90, %dma_wait3A_124] : memref<40x128xi32, #tpu.memory_space<vmem>> -> memref<1x128xi32, #tpu.memory_space<vmem>>
        %dma_wait3A_126 = tpu.memref_squeeze %dma_wait3A_125 : memref<1x128xi32, #tpu.memory_space<vmem>> -> memref<128xi32, #tpu.memory_space<vmem>>
        %dma_wait3A_127 = arith.constant 0 : i32
        %dma_wait3A_128 = arith.constant 0 : i32
        %dma_wait3A_129 = tpu.memref_slice %arg6[%dma_wait3A_127, %dma_wait3A_128] : memref<10240x128xf32, #tpu.memory_space<vmem_shared>> -> memref<10240x128xf32, #tpu.memory_space<vmem_shared>>
        tpu.wait_indirect_dma semaphore(%run_scoped3A_117 : memref<!tpu.dma_semaphore, #tpu.memory_space<semaphore_mem>>) src(%arg9 : memref<128x128xf32, #tpu.memory_space<vmem>>) dst(%dma_wait3A_129 : memref<10240x128xf32, #tpu.memory_space<vmem_shared>>)
        tpu.yield
      }) : () -> ()
      %add3A_101 = arith.constant 1 : i32
      %add3A_102 = arith.addi %mul3A_90, %add3A_101 : i32
      %dma_wait3A_103 = arith.constant 0 : i32
      %dma_wait3A_104 = arith.constant 0 : i32
      %dma_wait3A_105 = tpu.memref_slice %arg7[%dma_wait3A_103, %dma_wait3A_104] : memref<40x128xi32, #tpu.memory_space<vmem>> -> memref<1x128xi32, #tpu.memory_space<vmem>>
      %dma_wait3A_106 = tpu.memref_squeeze %dma_wait3A_105 : memref<1x128xi32, #tpu.memory_space<vmem>> -> memref<128xi32, #tpu.memory_space<vmem>>
      %dma_wait3A_107 = arith.constant 0 : i32
      %dma_wait3A_108 = arith.constant 0 : i32
      %dma_wait3A_109 = tpu.memref_slice %arg2[%dma_wait3A_107, %dma_wait3A_108] : memref<10000x128xf32, #tpu.memory_space<hbm>> -> memref<10000x128xf32, #tpu.memory_space<hbm>>
      tpu.wait_indirect_dma semaphore(%arg13 : memref<!tpu.dma_semaphore, #tpu.memory_space<semaphore_mem>>) src(%dma_wait3A_109 : memref<10000x128xf32, #tpu.memory_space<hbm>>) dst(%arg10 : memref<128x128xf32, #tpu.memory_space<vmem>>)
      %add3A_110 = arith.constant 1 : i32
      %add3A_111 = arith.addi %add3A_102, %add3A_110 : i32
      %lt3A_112 = arith.constant 40 : i32
      %lt3A_113 = arith.cmpi slt, %add3A_111, %lt3A_112 : i32
      %convert_element_type3A_114 = arith.extui %lt3A_113 : i1 to i32
      %cond3A_115 = arith.constant 0 : i32
      %cond3A_116 = arith.cmpi ne, %convert_element_type3A_114, %cond3A_115 : i32
      scf.if %cond3A_116 {
        %add3A_117 = arith.constant 1 : i32
        %add3A_118 = arith.addi %add3A_102, %add3A_117 : i32
        %dma_start3A_119 = arith.constant 0 : i32
        %dma_start3A_120 = tpu.memref_slice %arg7[%add3A_118, %dma_start3A_119] : memref<40x128xi32, #tpu.memory_space<vmem>> -> memref<1x128xi32, #tpu.memory_space<vmem>>
        %dma_start3A_121 = tpu.memref_squeeze %dma_start3A_120 : memref<1x128xi32, #tpu.memory_space<vmem>> -> memref<128xi32, #tpu.memory_space<vmem>>
        %dma_start3A_122 = arith.constant 0 : i32
        %dma_start3A_123 = arith.constant 0 : i32
        %dma_start3A_124 = tpu.memref_slice %arg2[%dma_start3A_122, %dma_start3A_123] : memref<10000x128xf32, #tpu.memory_space<hbm>> -> memref<10000x128xf32, #tpu.memory_space<hbm>>
        tpu.enqueue_indirect_dma source(%dma_start3A_124 : memref<10000x128xf32, #tpu.memory_space<hbm>>) target(%arg9 : memref<128x128xf32, #tpu.memory_space<vmem>>) offsets(%dma_start3A_121 : memref<128xi32, #tpu.memory_space<vmem>>) semaphore(%arg12 : memref<!tpu.dma_semaphore, #tpu.memory_space<semaphore_mem>>)
      } else {
      }
      "tpu.region"() ({
        %run_scoped3A_117 = tpu.sem_alloc : memref<!tpu.dma_semaphore, #tpu.memory_space<semaphore_mem>>
        %dma_start3A_118 = arith.constant 0 : i32
        %dma_start3A_119 = tpu.memref_slice %arg8[%add3A_102, %dma_start3A_118] : memref<40x128xi32, #tpu.memory_space<vmem>> -> memref<1x128xi32, #tpu.memory_space<vmem>>
        %dma_start3A_120 = tpu.memref_squeeze %dma_start3A_119 : memref<1x128xi32, #tpu.memory_space<vmem>> -> memref<128xi32, #tpu.memory_space<vmem>>
        %dma_start3A_121 = arith.constant 0 : i32
        %dma_start3A_122 = arith.constant 0 : i32
        %dma_start3A_123 = tpu.memref_slice %arg6[%dma_start3A_121, %dma_start3A_122] : memref<10240x128xf32, #tpu.memory_space<vmem_shared>> -> memref<10240x128xf32, #tpu.memory_space<vmem_shared>>
        tpu.enqueue_indirect_dma source(%arg10 : memref<128x128xf32, #tpu.memory_space<vmem>>) target(%dma_start3A_123 : memref<10240x128xf32, #tpu.memory_space<vmem_shared>>) offsets(%dma_start3A_120 : memref<128xi32, #tpu.memory_space<vmem>>) semaphore(%run_scoped3A_117 : memref<!tpu.dma_semaphore, #tpu.memory_space<semaphore_mem>>) {add = true}
        %dma_wait3A_124 = arith.constant 0 : i32
        %dma_wait3A_125 = tpu.memref_slice %arg8[%add3A_102, %dma_wait3A_124] : memref<40x128xi32, #tpu.memory_space<vmem>> -> memref<1x128xi32, #tpu.memory_space<vmem>>
        %dma_wait3A_126 = tpu.memref_squeeze %dma_wait3A_125 : memref<1x128xi32, #tpu.memory_space<vmem>> -> memref<128xi32, #tpu.memory_space<vmem>>
        %dma_wait3A_127 = arith.constant 0 : i32
        %dma_wait3A_128 = arith.constant 0 : i32
        %dma_wait3A_129 = tpu.memref_slice %arg6[%dma_wait3A_127, %dma_wait3A_128] : memref<10240x128xf32, #tpu.memory_space<vmem_shared>> -> memref<10240x128xf32, #tpu.memory_space<vmem_shared>>
        tpu.wait_indirect_dma semaphore(%run_scoped3A_117 : memref<!tpu.dma_semaphore, #tpu.memory_space<semaphore_mem>>) src(%arg10 : memref<128x128xf32, #tpu.memory_space<vmem>>) dst(%dma_wait3A_129 : memref<10240x128xf32, #tpu.memory_space<vmem_shared>>)
        tpu.yield
      }) : () -> ()
    }
    %scan3A_54 = arith.constant 20 : i32
    %barrier3A_55 = arith.constant 0 : index
    tpu.barrier barrier_id(%barrier3A_55)
    %mul3A_56 = arith.constant 3 : i32
    %mul3A_57 = arith.muli %arg0, %mul3A_56 : i32
    %add3A_58 = arith.constant 1 : i32
    %add3A_59 = arith.addi %mul3A_57, %add3A_58 : i32
    "tpu.region"() ({
      %run_scoped3A_88 = tpu.sem_alloc : memref<!tpu.dma_semaphore, #tpu.memory_space<semaphore_mem>>
      %dma_start3A_89 = arith.constant 0 : i32
      %dma_start3A_90 = tpu.memref_slice %arg5[%add3A_59, %mul3A_2, %dma_start3A_89] : memref<6x10240x128xf32, #tpu.memory_space<hbm>> -> memref<1x640x128xf32, #tpu.memory_space<hbm>>
      %dma_start3A_91 = tpu.memref_squeeze %dma_start3A_90 : memref<1x640x128xf32, #tpu.memory_space<hbm>> -> memref<640x128xf32, #tpu.memory_space<hbm>>
      %dma_start3A_92 = arith.constant 0 : i32
      %dma_start3A_93 = tpu.memref_slice %arg6[%mul3A_2, %dma_start3A_92] : memref<10240x128xf32, #tpu.memory_space<vmem_shared>> -> memref<640x128xf32, #tpu.memory_space<vmem_shared>>
      tpu.enqueue_dma source(%dma_start3A_93 : memref<640x128xf32, #tpu.memory_space<vmem_shared>>) target(%dma_start3A_91 : memref<640x128xf32, #tpu.memory_space<hbm>>) target_semaphore(%run_scoped3A_88 : memref<!tpu.dma_semaphore, #tpu.memory_space<semaphore_mem>>)
      %dma_wait3A = arith.constant 0 : i32
      %dma_wait3A_94 = tpu.memref_slice %arg5[%add3A_59, %mul3A_2, %dma_wait3A] : memref<6x10240x128xf32, #tpu.memory_space<hbm>> -> memref<1x640x128xf32, #tpu.memory_space<hbm>>
      %dma_wait3A_95 = tpu.memref_squeeze %dma_wait3A_94 : memref<1x640x128xf32, #tpu.memory_space<hbm>> -> memref<640x128xf32, #tpu.memory_space<hbm>>
      %dma_wait3A_96 = arith.constant 0 : i32
      %dma_wait3A_97 = tpu.memref_slice %arg6[%mul3A_2, %dma_wait3A_96] : memref<10240x128xf32, #tpu.memory_space<vmem_shared>> -> memref<640x128xf32, #tpu.memory_space<vmem_shared>>
      tpu.wait_dma2 semaphore(%run_scoped3A_88 : memref<!tpu.dma_semaphore, #tpu.memory_space<semaphore_mem>>) src(%dma_wait3A_97 : memref<640x128xf32, #tpu.memory_space<vmem_shared>>) dst(%dma_wait3A_95 : memref<640x128xf32, #tpu.memory_space<hbm>>)
      tpu.yield
    }) : () -> ()
    %scan3A_60 = arith.constant 0 : i32
    %scan3A_61 = arith.constant 0 : i32
    %scan3A_62 = arith.constant 16 : i32
    %scan3A_63 = arith.addi %scan3A_61, %scan3A_62 : i32
    %scan3A_64 = arith.constant 1 : i32
    scf.for %scan3A_88 = %scan3A_61 to %scan3A_63 step %scan3A_64  : i32 {
      %mul3A_89 = arith.constant 40 : i32
      %mul3A_90 = arith.muli %scan3A_88, %mul3A_89 : i32
      %add3A_91 = arith.addi %mul3A_2, %mul3A_90 : i32
      "tpu.region"() ({
        %run_scoped3A_92 = tpu.sem_alloc : memref<!tpu.dma_semaphore, #tpu.memory_space<semaphore_mem>>
        %dma_start3A_93 = arith.constant 0 : i32
        %dma_start3A_94 = tpu.memref_slice %arg6[%add3A_91, %dma_start3A_93] : memref<10240x128xf32, #tpu.memory_space<vmem_shared>> -> memref<40x128xf32, #tpu.memory_space<vmem_shared>>
        %dma_start3A_95 = arith.constant 0 : i32
        %dma_start3A_96 = tpu.memref_slice %arg6[%add3A_91, %dma_start3A_95] : memref<10240x128xf32, #tpu.memory_space<vmem_shared>> -> memref<40x128xf32, #tpu.memory_space<vmem_shared>>
        tpu.enqueue_dma source(%arg11 : memref<40x128xf32, #tpu.memory_space<vmem>>) target(%dma_start3A_96 : memref<40x128xf32, #tpu.memory_space<vmem_shared>>) target_semaphore(%run_scoped3A_92 : memref<!tpu.dma_semaphore, #tpu.memory_space<semaphore_mem>>)
        %dma_wait3A = arith.constant 0 : i32
        %dma_wait3A_97 = tpu.memref_slice %arg6[%add3A_91, %dma_wait3A] : memref<10240x128xf32, #tpu.memory_space<vmem_shared>> -> memref<40x128xf32, #tpu.memory_space<vmem_shared>>
        %dma_wait3A_98 = arith.constant 0 : i32
        %dma_wait3A_99 = tpu.memref_slice %arg6[%add3A_91, %dma_wait3A_98] : memref<10240x128xf32, #tpu.memory_space<vmem_shared>> -> memref<40x128xf32, #tpu.memory_space<vmem_shared>>
        tpu.wait_dma2 semaphore(%run_scoped3A_92 : memref<!tpu.dma_semaphore, #tpu.memory_space<semaphore_mem>>) src(%arg11 : memref<40x128xf32, #tpu.memory_space<vmem>>) dst(%dma_wait3A_99 : memref<40x128xf32, #tpu.memory_space<vmem_shared>>)
        tpu.yield
      }) : () -> ()
    }
    %scan3A_65 = arith.constant 16 : i32
    %barrier3A_66 = arith.constant 0 : index
    tpu.barrier barrier_id(%barrier3A_66)
    %run_scoped3A_67 = arith.constant 2 : i32
    "tpu.region"() ({
      %run_scoped3A_88 = tpu.sem_alloc : memref<!tpu.dma_semaphore, #tpu.memory_space<semaphore_mem>>
      %dma_start3A_89 = arith.constant 0 : i32
      %dma_start3A_90 = arith.constant 0 : i32
      %dma_start3A_91 = tpu.memref_slice %arg3[%run_scoped3A_67, %add3A, %dma_start3A_89, %dma_start3A_90] : memref<3x32x40x128xi32, #tpu.memory_space<hbm>> -> memref<1x1x40x128xi32, #tpu.memory_space<hbm>>
      %dma_start3A_92 = tpu.memref_squeeze %dma_start3A_91 : memref<1x1x40x128xi32, #tpu.memory_space<hbm>> -> memref<40x128xi32, #tpu.memory_space<hbm>>
      %dma_start3A_93 = arith.constant 0 : i32
      %dma_start3A_94 = arith.constant 0 : i32
      %dma_start3A_95 = tpu.memref_slice %arg3[%run_scoped3A_67, %add3A, %dma_start3A_93, %dma_start3A_94] : memref<3x32x40x128xi32, #tpu.memory_space<hbm>> -> memref<1x1x40x128xi32, #tpu.memory_space<hbm>>
      %dma_start3A_96 = tpu.memref_squeeze %dma_start3A_95 : memref<1x1x40x128xi32, #tpu.memory_space<hbm>> -> memref<40x128xi32, #tpu.memory_space<hbm>>
      tpu.enqueue_dma source(%dma_start3A_96 : memref<40x128xi32, #tpu.memory_space<hbm>>) target(%arg7 : memref<40x128xi32, #tpu.memory_space<vmem>>) target_semaphore(%run_scoped3A_88 : memref<!tpu.dma_semaphore, #tpu.memory_space<semaphore_mem>>)
      %dma_wait3A = arith.constant 0 : i32
      %dma_wait3A_97 = arith.constant 0 : i32
      %dma_wait3A_98 = tpu.memref_slice %arg3[%run_scoped3A_67, %add3A, %dma_wait3A, %dma_wait3A_97] : memref<3x32x40x128xi32, #tpu.memory_space<hbm>> -> memref<1x1x40x128xi32, #tpu.memory_space<hbm>>
      %dma_wait3A_99 = tpu.memref_squeeze %dma_wait3A_98 : memref<1x1x40x128xi32, #tpu.memory_space<hbm>> -> memref<40x128xi32, #tpu.memory_space<hbm>>
      %dma_wait3A_100 = arith.constant 0 : i32
      %dma_wait3A_101 = arith.constant 0 : i32
      %dma_wait3A_102 = tpu.memref_slice %arg3[%run_scoped3A_67, %add3A, %dma_wait3A_100, %dma_wait3A_101] : memref<3x32x40x128xi32, #tpu.memory_space<hbm>> -> memref<1x1x40x128xi32, #tpu.memory_space<hbm>>
      %dma_wait3A_103 = tpu.memref_squeeze %dma_wait3A_102 : memref<1x1x40x128xi32, #tpu.memory_space<hbm>> -> memref<40x128xi32, #tpu.memory_space<hbm>>
      tpu.wait_dma2 semaphore(%run_scoped3A_88 : memref<!tpu.dma_semaphore, #tpu.memory_space<semaphore_mem>>) src(%dma_wait3A_103 : memref<40x128xi32, #tpu.memory_space<hbm>>) dst(%arg7 : memref<40x128xi32, #tpu.memory_space<vmem>>)
      tpu.yield
    }) : () -> ()
    %run_scoped3A_68 = arith.constant 2 : i32
    "tpu.region"() ({
      %run_scoped3A_88 = tpu.sem_alloc : memref<!tpu.dma_semaphore, #tpu.memory_space<semaphore_mem>>
      %dma_start3A_89 = arith.constant 0 : i32
      %dma_start3A_90 = arith.constant 0 : i32
      %dma_start3A_91 = tpu.memref_slice %arg4[%run_scoped3A_68, %add3A, %dma_start3A_89, %dma_start3A_90] : memref<3x32x40x128xi32, #tpu.memory_space<hbm>> -> memref<1x1x40x128xi32, #tpu.memory_space<hbm>>
      %dma_start3A_92 = tpu.memref_squeeze %dma_start3A_91 : memref<1x1x40x128xi32, #tpu.memory_space<hbm>> -> memref<40x128xi32, #tpu.memory_space<hbm>>
      %dma_start3A_93 = arith.constant 0 : i32
      %dma_start3A_94 = arith.constant 0 : i32
      %dma_start3A_95 = tpu.memref_slice %arg4[%run_scoped3A_68, %add3A, %dma_start3A_93, %dma_start3A_94] : memref<3x32x40x128xi32, #tpu.memory_space<hbm>> -> memref<1x1x40x128xi32, #tpu.memory_space<hbm>>
      %dma_start3A_96 = tpu.memref_squeeze %dma_start3A_95 : memref<1x1x40x128xi32, #tpu.memory_space<hbm>> -> memref<40x128xi32, #tpu.memory_space<hbm>>
      tpu.enqueue_dma source(%dma_start3A_96 : memref<40x128xi32, #tpu.memory_space<hbm>>) target(%arg8 : memref<40x128xi32, #tpu.memory_space<vmem>>) target_semaphore(%run_scoped3A_88 : memref<!tpu.dma_semaphore, #tpu.memory_space<semaphore_mem>>)
      %dma_wait3A = arith.constant 0 : i32
      %dma_wait3A_97 = arith.constant 0 : i32
      %dma_wait3A_98 = tpu.memref_slice %arg4[%run_scoped3A_68, %add3A, %dma_wait3A, %dma_wait3A_97] : memref<3x32x40x128xi32, #tpu.memory_space<hbm>> -> memref<1x1x40x128xi32, #tpu.memory_space<hbm>>
      %dma_wait3A_99 = tpu.memref_squeeze %dma_wait3A_98 : memref<1x1x40x128xi32, #tpu.memory_space<hbm>> -> memref<40x128xi32, #tpu.memory_space<hbm>>
      %dma_wait3A_100 = arith.constant 0 : i32
      %dma_wait3A_101 = arith.constant 0 : i32
      %dma_wait3A_102 = tpu.memref_slice %arg4[%run_scoped3A_68, %add3A, %dma_wait3A_100, %dma_wait3A_101] : memref<3x32x40x128xi32, #tpu.memory_space<hbm>> -> memref<1x1x40x128xi32, #tpu.memory_space<hbm>>
      %dma_wait3A_103 = tpu.memref_squeeze %dma_wait3A_102 : memref<1x1x40x128xi32, #tpu.memory_space<hbm>> -> memref<40x128xi32, #tpu.memory_space<hbm>>
      tpu.wait_dma2 semaphore(%run_scoped3A_88 : memref<!tpu.dma_semaphore, #tpu.memory_space<semaphore_mem>>) src(%dma_wait3A_103 : memref<40x128xi32, #tpu.memory_space<hbm>>) dst(%arg8 : memref<40x128xi32, #tpu.memory_space<vmem>>)
      tpu.yield
    }) : () -> ()
    %dma_start3A_69 = arith.constant 0 : i32
    %dma_start3A_70 = arith.constant 0 : i32
    %dma_start3A_71 = tpu.memref_slice %arg7[%dma_start3A_69, %dma_start3A_70] : memref<40x128xi32, #tpu.memory_space<vmem>> -> memref<1x128xi32, #tpu.memory_space<vmem>>
    %dma_start3A_72 = tpu.memref_squeeze %dma_start3A_71 : memref<1x128xi32, #tpu.memory_space<vmem>> -> memref<128xi32, #tpu.memory_space<vmem>>
    %dma_start3A_73 = arith.constant 0 : i32
    %dma_start3A_74 = arith.constant 0 : i32
    %dma_start3A_75 = tpu.memref_slice %arg2[%dma_start3A_73, %dma_start3A_74] : memref<10000x128xf32, #tpu.memory_space<hbm>> -> memref<10000x128xf32, #tpu.memory_space<hbm>>
    tpu.enqueue_indirect_dma source(%dma_start3A_75 : memref<10000x128xf32, #tpu.memory_space<hbm>>) target(%arg9 : memref<128x128xf32, #tpu.memory_space<vmem>>) offsets(%dma_start3A_72 : memref<128xi32, #tpu.memory_space<vmem>>) semaphore(%arg12 : memref<!tpu.dma_semaphore, #tpu.memory_space<semaphore_mem>>)
    %scan3A_76 = arith.constant 0 : i32
    %scan3A_77 = arith.constant 0 : i32
    %scan3A_78 = arith.constant 20 : i32
    %scan3A_79 = arith.addi %scan3A_77, %scan3A_78 : i32
    %scan3A_80 = arith.constant 1 : i32
    scf.for %scan3A_88 = %scan3A_77 to %scan3A_79 step %scan3A_80  : i32 {
      %mul3A_89 = arith.constant 2 : i32
      %mul3A_90 = arith.muli %mul3A_89, %scan3A_88 : i32
      %dma_wait3A = arith.constant 0 : i32
      %dma_wait3A_91 = arith.constant 0 : i32
      %dma_wait3A_92 = tpu.memref_slice %arg7[%dma_wait3A, %dma_wait3A_91] : memref<40x128xi32, #tpu.memory_space<vmem>> -> memref<1x128xi32, #tpu.memory_space<vmem>>
      %dma_wait3A_93 = tpu.memref_squeeze %dma_wait3A_92 : memref<1x128xi32, #tpu.memory_space<vmem>> -> memref<128xi32, #tpu.memory_space<vmem>>
      %dma_wait3A_94 = arith.constant 0 : i32
      %dma_wait3A_95 = arith.constant 0 : i32
      %dma_wait3A_96 = tpu.memref_slice %arg2[%dma_wait3A_94, %dma_wait3A_95] : memref<10000x128xf32, #tpu.memory_space<hbm>> -> memref<10000x128xf32, #tpu.memory_space<hbm>>
      tpu.wait_indirect_dma semaphore(%arg12 : memref<!tpu.dma_semaphore, #tpu.memory_space<semaphore_mem>>) src(%dma_wait3A_96 : memref<10000x128xf32, #tpu.memory_space<hbm>>) dst(%arg9 : memref<128x128xf32, #tpu.memory_space<vmem>>)
      %add3A_97 = arith.constant 1 : i32
      %add3A_98 = arith.addi %mul3A_90, %add3A_97 : i32
      %lt3A = arith.constant 40 : i32
      %lt3A_99 = arith.cmpi slt, %add3A_98, %lt3A : i32
      %convert_element_type3A = arith.extui %lt3A_99 : i1 to i32
      %cond3A = arith.constant 0 : i32
      %cond3A_100 = arith.cmpi ne, %convert_element_type3A, %cond3A : i32
      scf.if %cond3A_100 {
        %add3A_117 = arith.constant 1 : i32
        %add3A_118 = arith.addi %mul3A_90, %add3A_117 : i32
        %dma_start3A_119 = arith.constant 0 : i32
        %dma_start3A_120 = tpu.memref_slice %arg7[%add3A_118, %dma_start3A_119] : memref<40x128xi32, #tpu.memory_space<vmem>> -> memref<1x128xi32, #tpu.memory_space<vmem>>
        %dma_start3A_121 = tpu.memref_squeeze %dma_start3A_120 : memref<1x128xi32, #tpu.memory_space<vmem>> -> memref<128xi32, #tpu.memory_space<vmem>>
        %dma_start3A_122 = arith.constant 0 : i32
        %dma_start3A_123 = arith.constant 0 : i32
        %dma_start3A_124 = tpu.memref_slice %arg2[%dma_start3A_122, %dma_start3A_123] : memref<10000x128xf32, #tpu.memory_space<hbm>> -> memref<10000x128xf32, #tpu.memory_space<hbm>>
        tpu.enqueue_indirect_dma source(%dma_start3A_124 : memref<10000x128xf32, #tpu.memory_space<hbm>>) target(%arg10 : memref<128x128xf32, #tpu.memory_space<vmem>>) offsets(%dma_start3A_121 : memref<128xi32, #tpu.memory_space<vmem>>) semaphore(%arg13 : memref<!tpu.dma_semaphore, #tpu.memory_space<semaphore_mem>>)
      } else {
      }
      "tpu.region"() ({
        %run_scoped3A_117 = tpu.sem_alloc : memref<!tpu.dma_semaphore, #tpu.memory_space<semaphore_mem>>
        %dma_start3A_118 = arith.constant 0 : i32
        %dma_start3A_119 = tpu.memref_slice %arg8[%mul3A_90, %dma_start3A_118] : memref<40x128xi32, #tpu.memory_space<vmem>> -> memref<1x128xi32, #tpu.memory_space<vmem>>
        %dma_start3A_120 = tpu.memref_squeeze %dma_start3A_119 : memref<1x128xi32, #tpu.memory_space<vmem>> -> memref<128xi32, #tpu.memory_space<vmem>>
        %dma_start3A_121 = arith.constant 0 : i32
        %dma_start3A_122 = arith.constant 0 : i32
        %dma_start3A_123 = tpu.memref_slice %arg6[%dma_start3A_121, %dma_start3A_122] : memref<10240x128xf32, #tpu.memory_space<vmem_shared>> -> memref<10240x128xf32, #tpu.memory_space<vmem_shared>>
        tpu.enqueue_indirect_dma source(%arg9 : memref<128x128xf32, #tpu.memory_space<vmem>>) target(%dma_start3A_123 : memref<10240x128xf32, #tpu.memory_space<vmem_shared>>) offsets(%dma_start3A_120 : memref<128xi32, #tpu.memory_space<vmem>>) semaphore(%run_scoped3A_117 : memref<!tpu.dma_semaphore, #tpu.memory_space<semaphore_mem>>) {add = true}
        %dma_wait3A_124 = arith.constant 0 : i32
        %dma_wait3A_125 = tpu.memref_slice %arg8[%mul3A_90, %dma_wait3A_124] : memref<40x128xi32, #tpu.memory_space<vmem>> -> memref<1x128xi32, #tpu.memory_space<vmem>>
        %dma_wait3A_126 = tpu.memref_squeeze %dma_wait3A_125 : memref<1x128xi32, #tpu.memory_space<vmem>> -> memref<128xi32, #tpu.memory_space<vmem>>
        %dma_wait3A_127 = arith.constant 0 : i32
        %dma_wait3A_128 = arith.constant 0 : i32
        %dma_wait3A_129 = tpu.memref_slice %arg6[%dma_wait3A_127, %dma_wait3A_128] : memref<10240x128xf32, #tpu.memory_space<vmem_shared>> -> memref<10240x128xf32, #tpu.memory_space<vmem_shared>>
        tpu.wait_indirect_dma semaphore(%run_scoped3A_117 : memref<!tpu.dma_semaphore, #tpu.memory_space<semaphore_mem>>) src(%arg9 : memref<128x128xf32, #tpu.memory_space<vmem>>) dst(%dma_wait3A_129 : memref<10240x128xf32, #tpu.memory_space<vmem_shared>>)
        tpu.yield
      }) : () -> ()
      %add3A_101 = arith.constant 1 : i32
      %add3A_102 = arith.addi %mul3A_90, %add3A_101 : i32
      %dma_wait3A_103 = arith.constant 0 : i32
      %dma_wait3A_104 = arith.constant 0 : i32
      %dma_wait3A_105 = tpu.memref_slice %arg7[%dma_wait3A_103, %dma_wait3A_104] : memref<40x128xi32, #tpu.memory_space<vmem>> -> memref<1x128xi32, #tpu.memory_space<vmem>>
      %dma_wait3A_106 = tpu.memref_squeeze %dma_wait3A_105 : memref<1x128xi32, #tpu.memory_space<vmem>> -> memref<128xi32, #tpu.memory_space<vmem>>
      %dma_wait3A_107 = arith.constant 0 : i32
      %dma_wait3A_108 = arith.constant 0 : i32
      %dma_wait3A_109 = tpu.memref_slice %arg2[%dma_wait3A_107, %dma_wait3A_108] : memref<10000x128xf32, #tpu.memory_space<hbm>> -> memref<10000x128xf32, #tpu.memory_space<hbm>>
      tpu.wait_indirect_dma semaphore(%arg13 : memref<!tpu.dma_semaphore, #tpu.memory_space<semaphore_mem>>) src(%dma_wait3A_109 : memref<10000x128xf32, #tpu.memory_space<hbm>>) dst(%arg10 : memref<128x128xf32, #tpu.memory_space<vmem>>)
      %add3A_110 = arith.constant 1 : i32
      %add3A_111 = arith.addi %add3A_102, %add3A_110 : i32
      %lt3A_112 = arith.constant 40 : i32
      %lt3A_113 = arith.cmpi slt, %add3A_111, %lt3A_112 : i32
      %convert_element_type3A_114 = arith.extui %lt3A_113 : i1 to i32
      %cond3A_115 = arith.constant 0 : i32
      %cond3A_116 = arith.cmpi ne, %convert_element_type3A_114, %cond3A_115 : i32
      scf.if %cond3A_116 {
        %add3A_117 = arith.constant 1 : i32
        %add3A_118 = arith.addi %add3A_102, %add3A_117 : i32
        %dma_start3A_119 = arith.constant 0 : i32
        %dma_start3A_120 = tpu.memref_slice %arg7[%add3A_118, %dma_start3A_119] : memref<40x128xi32, #tpu.memory_space<vmem>> -> memref<1x128xi32, #tpu.memory_space<vmem>>
        %dma_start3A_121 = tpu.memref_squeeze %dma_start3A_120 : memref<1x128xi32, #tpu.memory_space<vmem>> -> memref<128xi32, #tpu.memory_space<vmem>>
        %dma_start3A_122 = arith.constant 0 : i32
        %dma_start3A_123 = arith.constant 0 : i32
        %dma_start3A_124 = tpu.memref_slice %arg2[%dma_start3A_122, %dma_start3A_123] : memref<10000x128xf32, #tpu.memory_space<hbm>> -> memref<10000x128xf32, #tpu.memory_space<hbm>>
        tpu.enqueue_indirect_dma source(%dma_start3A_124 : memref<10000x128xf32, #tpu.memory_space<hbm>>) target(%arg9 : memref<128x128xf32, #tpu.memory_space<vmem>>) offsets(%dma_start3A_121 : memref<128xi32, #tpu.memory_space<vmem>>) semaphore(%arg12 : memref<!tpu.dma_semaphore, #tpu.memory_space<semaphore_mem>>)
      } else {
      }
      "tpu.region"() ({
        %run_scoped3A_117 = tpu.sem_alloc : memref<!tpu.dma_semaphore, #tpu.memory_space<semaphore_mem>>
        %dma_start3A_118 = arith.constant 0 : i32
        %dma_start3A_119 = tpu.memref_slice %arg8[%add3A_102, %dma_start3A_118] : memref<40x128xi32, #tpu.memory_space<vmem>> -> memref<1x128xi32, #tpu.memory_space<vmem>>
        %dma_start3A_120 = tpu.memref_squeeze %dma_start3A_119 : memref<1x128xi32, #tpu.memory_space<vmem>> -> memref<128xi32, #tpu.memory_space<vmem>>
        %dma_start3A_121 = arith.constant 0 : i32
        %dma_start3A_122 = arith.constant 0 : i32
        %dma_start3A_123 = tpu.memref_slice %arg6[%dma_start3A_121, %dma_start3A_122] : memref<10240x128xf32, #tpu.memory_space<vmem_shared>> -> memref<10240x128xf32, #tpu.memory_space<vmem_shared>>
        tpu.enqueue_indirect_dma source(%arg10 : memref<128x128xf32, #tpu.memory_space<vmem>>) target(%dma_start3A_123 : memref<10240x128xf32, #tpu.memory_space<vmem_shared>>) offsets(%dma_start3A_120 : memref<128xi32, #tpu.memory_space<vmem>>) semaphore(%run_scoped3A_117 : memref<!tpu.dma_semaphore, #tpu.memory_space<semaphore_mem>>) {add = true}
        %dma_wait3A_124 = arith.constant 0 : i32
        %dma_wait3A_125 = tpu.memref_slice %arg8[%add3A_102, %dma_wait3A_124] : memref<40x128xi32, #tpu.memory_space<vmem>> -> memref<1x128xi32, #tpu.memory_space<vmem>>
        %dma_wait3A_126 = tpu.memref_squeeze %dma_wait3A_125 : memref<1x128xi32, #tpu.memory_space<vmem>> -> memref<128xi32, #tpu.memory_space<vmem>>
        %dma_wait3A_127 = arith.constant 0 : i32
        %dma_wait3A_128 = arith.constant 0 : i32
        %dma_wait3A_129 = tpu.memref_slice %arg6[%dma_wait3A_127, %dma_wait3A_128] : memref<10240x128xf32, #tpu.memory_space<vmem_shared>> -> memref<10240x128xf32, #tpu.memory_space<vmem_shared>>
        tpu.wait_indirect_dma semaphore(%run_scoped3A_117 : memref<!tpu.dma_semaphore, #tpu.memory_space<semaphore_mem>>) src(%arg10 : memref<128x128xf32, #tpu.memory_space<vmem>>) dst(%dma_wait3A_129 : memref<10240x128xf32, #tpu.memory_space<vmem_shared>>)
        tpu.yield
      }) : () -> ()
    }
    %scan3A_81 = arith.constant 20 : i32
    %barrier3A_82 = arith.constant 0 : index
    tpu.barrier barrier_id(%barrier3A_82)
    %mul3A_83 = arith.constant 3 : i32
    %mul3A_84 = arith.muli %arg0, %mul3A_83 : i32
    %add3A_85 = arith.constant 2 : i32
    %add3A_86 = arith.addi %mul3A_84, %add3A_85 : i32
    "tpu.region"() ({
      %run_scoped3A_88 = tpu.sem_alloc : memref<!tpu.dma_semaphore, #tpu.memory_space<semaphore_mem>>
      %dma_start3A_89 = arith.constant 0 : i32
      %dma_start3A_90 = tpu.memref_slice %arg5[%add3A_86, %mul3A_2, %dma_start3A_89] : memref<6x10240x128xf32, #tpu.memory_space<hbm>> -> memref<1x640x128xf32, #tpu.memory_space<hbm>>
      %dma_start3A_91 = tpu.memref_squeeze %dma_start3A_90 : memref<1x640x128xf32, #tpu.memory_space<hbm>> -> memref<640x128xf32, #tpu.memory_space<hbm>>
      %dma_start3A_92 = arith.constant 0 : i32
      %dma_start3A_93 = tpu.memref_slice %arg6[%mul3A_2, %dma_start3A_92] : memref<10240x128xf32, #tpu.memory_space<vmem_shared>> -> memref<640x128xf32, #tpu.memory_space<vmem_shared>>
      tpu.enqueue_dma source(%dma_start3A_93 : memref<640x128xf32, #tpu.memory_space<vmem_shared>>) target(%dma_start3A_91 : memref<640x128xf32, #tpu.memory_space<hbm>>) target_semaphore(%run_scoped3A_88 : memref<!tpu.dma_semaphore, #tpu.memory_space<semaphore_mem>>)
      %dma_wait3A = arith.constant 0 : i32
      %dma_wait3A_94 = tpu.memref_slice %arg5[%add3A_86, %mul3A_2, %dma_wait3A] : memref<6x10240x128xf32, #tpu.memory_space<hbm>> -> memref<1x640x128xf32, #tpu.memory_space<hbm>>
      %dma_wait3A_95 = tpu.memref_squeeze %dma_wait3A_94 : memref<1x640x128xf32, #tpu.memory_space<hbm>> -> memref<640x128xf32, #tpu.memory_space<hbm>>
      %dma_wait3A_96 = arith.constant 0 : i32
      %dma_wait3A_97 = tpu.memref_slice %arg6[%mul3A_2, %dma_wait3A_96] : memref<10240x128xf32, #tpu.memory_space<vmem_shared>> -> memref<640x128xf32, #tpu.memory_space<vmem_shared>>
      tpu.wait_dma2 semaphore(%run_scoped3A_88 : memref<!tpu.dma_semaphore, #tpu.memory_space<semaphore_mem>>) src(%dma_wait3A_97 : memref<640x128xf32, #tpu.memory_space<vmem_shared>>) dst(%dma_wait3A_95 : memref<640x128xf32, #tpu.memory_space<hbm>>)
      tpu.yield
    }) : () -> ()
    %barrier3A_87 = arith.constant 0 : index
    tpu.barrier barrier_id(%barrier3A_87)
    return
  }
}

module attributes {stable_mosaic.version = 14 : i64} {
  func.func @_tc_body(%arg0: i32, %arg1: memref<6x1000x128xf32, #tpu.memory_space<vmem>>, %arg2: memref<1000x128xf32, #tpu.memory_space<vmem>>, %arg3: memref<4x128x128xf32, #tpu.memory_space<vmem>>, %arg4: memref<1000x128xf32, #tpu.memory_space<vmem>>) attributes {dimension_semantics = [#tpu.dimension_semantics<arbitrary>], iteration_bounds = array<i64: 10>, scalar_prefetch = 0 : i64, scratch_operands = 0 : i64, tpu.core_type = #tpu.core_type<tc>, window_params = [{transform_indices = @transform_0, window_bounds = array<i64: 6, 1000, 128>}, {transform_indices = @transform_1, window_bounds = array<i64: 1000, 128>}, {pipeline_mode = #tpu.pipeline_mode<synchronous>, transform_indices = @transform_2, window_bounds = array<i64: 4, 128, 128>}, {transform_indices = @transform_3, window_bounds = array<i64: 1000, 128>}]} {
    %get3A = arith.constant 0 : index
    %get3A_0 = arith.constant 0 : index
    %get3A_1 = arith.constant 0 : index
    %get3A_2 = vector.load %arg1[%get3A, %get3A_0, %get3A_1] : memref<6x1000x128xf32, #tpu.memory_space<vmem>>, vector<1x1000x128xf32>
    %get3A_3 = vector.shape_cast %get3A_2 : vector<1x1000x128xf32> to vector<1000x128xf32>
    %get3A_4 = arith.constant 3 : index
    %get3A_5 = arith.constant 0 : index
    %get3A_6 = arith.constant 0 : index
    %get3A_7 = vector.load %arg1[%get3A_4, %get3A_5, %get3A_6] : memref<6x1000x128xf32, #tpu.memory_space<vmem>>, vector<1x1000x128xf32>
    %get3A_8 = vector.shape_cast %get3A_7 : vector<1x1000x128xf32> to vector<1000x128xf32>
    %add3A = arith.addf %get3A_3, %get3A_8 : vector<1000x128xf32>
    %get3A_9 = arith.constant 1 : index
    %get3A_10 = arith.constant 0 : index
    %get3A_11 = arith.constant 0 : index
    %get3A_12 = vector.load %arg1[%get3A_9, %get3A_10, %get3A_11] : memref<6x1000x128xf32, #tpu.memory_space<vmem>>, vector<1x1000x128xf32>
    %get3A_13 = vector.shape_cast %get3A_12 : vector<1x1000x128xf32> to vector<1000x128xf32>
    %get3A_14 = arith.constant 4 : index
    %get3A_15 = arith.constant 0 : index
    %get3A_16 = arith.constant 0 : index
    %get3A_17 = vector.load %arg1[%get3A_14, %get3A_15, %get3A_16] : memref<6x1000x128xf32, #tpu.memory_space<vmem>>, vector<1x1000x128xf32>
    %get3A_18 = vector.shape_cast %get3A_17 : vector<1x1000x128xf32> to vector<1000x128xf32>
    %add3A_19 = arith.addf %get3A_13, %get3A_18 : vector<1000x128xf32>
    %get3A_20 = arith.constant 2 : index
    %get3A_21 = arith.constant 0 : index
    %get3A_22 = arith.constant 0 : index
    %get3A_23 = vector.load %arg1[%get3A_20, %get3A_21, %get3A_22] : memref<6x1000x128xf32, #tpu.memory_space<vmem>>, vector<1x1000x128xf32>
    %get3A_24 = vector.shape_cast %get3A_23 : vector<1x1000x128xf32> to vector<1000x128xf32>
    %get3A_25 = arith.constant 5 : index
    %get3A_26 = arith.constant 0 : index
    %get3A_27 = arith.constant 0 : index
    %get3A_28 = vector.load %arg1[%get3A_25, %get3A_26, %get3A_27] : memref<6x1000x128xf32, #tpu.memory_space<vmem>>, vector<1x1000x128xf32>
    %get3A_29 = vector.shape_cast %get3A_28 : vector<1x1000x128xf32> to vector<1000x128xf32>
    %add3A_30 = arith.addf %get3A_24, %get3A_29 : vector<1000x128xf32>
    %get3A_31 = arith.constant 0 : index
    %get3A_32 = arith.constant 0 : index
    %get3A_33 = arith.constant 0 : index
    %get3A_34 = vector.load %arg3[%get3A_31, %get3A_32, %get3A_33] : memref<4x128x128xf32, #tpu.memory_space<vmem>>, vector<1x128x128xf32>
    %get3A_35 = vector.shape_cast %get3A_34 : vector<1x128x128xf32> to vector<128x128xf32>
    %dot_general3A = arith.constant dense<0.000000e+00> : vector<1000x128xf32>
    %dot_general3A_36 = tpu.matmul %add3A, %get3A_35, %dot_general3A {dimension_numbers = #tpu.dot_dimension_numbers<[1], [0], [0], [1], [0, 0, 1, 1], [], []>, transpose_lhs_hint = false} : vector<1000x128xf32>, vector<128x128xf32>, vector<1000x128xf32> -> vector<1000x128xf32>
    %get3A_37 = arith.constant 1 : index
    %get3A_38 = arith.constant 0 : index
    %get3A_39 = arith.constant 0 : index
    %get3A_40 = vector.load %arg3[%get3A_37, %get3A_38, %get3A_39] : memref<4x128x128xf32, #tpu.memory_space<vmem>>, vector<1x128x128xf32>
    %get3A_41 = vector.shape_cast %get3A_40 : vector<1x128x128xf32> to vector<128x128xf32>
    %dot_general3A_42 = arith.constant dense<0.000000e+00> : vector<1000x128xf32>
    %dot_general3A_43 = tpu.matmul %add3A_19, %get3A_41, %dot_general3A_42 {dimension_numbers = #tpu.dot_dimension_numbers<[1], [0], [0], [1], [0, 0, 1, 1], [], []>, transpose_lhs_hint = false} : vector<1000x128xf32>, vector<128x128xf32>, vector<1000x128xf32> -> vector<1000x128xf32>
    %add3A_44 = arith.addf %dot_general3A_36, %dot_general3A_43 : vector<1000x128xf32>
    %get3A_45 = arith.constant 2 : index
    %get3A_46 = arith.constant 0 : index
    %get3A_47 = arith.constant 0 : index
    %get3A_48 = vector.load %arg3[%get3A_45, %get3A_46, %get3A_47] : memref<4x128x128xf32, #tpu.memory_space<vmem>>, vector<1x128x128xf32>
    %get3A_49 = vector.shape_cast %get3A_48 : vector<1x128x128xf32> to vector<128x128xf32>
    %dot_general3A_50 = arith.constant dense<0.000000e+00> : vector<1000x128xf32>
    %dot_general3A_51 = tpu.matmul %add3A_30, %get3A_49, %dot_general3A_50 {dimension_numbers = #tpu.dot_dimension_numbers<[1], [0], [0], [1], [0, 0, 1, 1], [], []>, transpose_lhs_hint = false} : vector<1000x128xf32>, vector<128x128xf32>, vector<1000x128xf32> -> vector<1000x128xf32>
    %sub3A = arith.subf %add3A_44, %dot_general3A_51 : vector<1000x128xf32>
    %get3A_52 = arith.constant 0 : index
    %get3A_53 = arith.constant 0 : index
    %get3A_54 = vector.load %arg2[%get3A_52, %get3A_53] : memref<1000x128xf32, #tpu.memory_space<vmem>>, vector<1000x128xf32>
    %get3A_55 = arith.constant 3 : index
    %get3A_56 = arith.constant 0 : index
    %get3A_57 = arith.constant 0 : index
    %get3A_58 = vector.load %arg3[%get3A_55, %get3A_56, %get3A_57] : memref<4x128x128xf32, #tpu.memory_space<vmem>>, vector<1x128x128xf32>
    %get3A_59 = vector.shape_cast %get3A_58 : vector<1x128x128xf32> to vector<128x128xf32>
    %dot_general3A_60 = arith.constant dense<0.000000e+00> : vector<1000x128xf32>
    %dot_general3A_61 = tpu.matmul %get3A_54, %get3A_59, %dot_general3A_60 {dimension_numbers = #tpu.dot_dimension_numbers<[1], [0], [0], [1], [0, 0, 1, 1], [], []>, transpose_lhs_hint = false} : vector<1000x128xf32>, vector<128x128xf32>, vector<1000x128xf32> -> vector<1000x128xf32>
    %add3A_62 = arith.addf %sub3A, %dot_general3A_61 : vector<1000x128xf32>
    %max3A = arith.constant 0.000000e+00 : f32
    %max3A_63 = vector.broadcast %max3A : f32 to vector<1000x128xf32>
    %max3A_64 = arith.maximumf %add3A_62, %max3A_63 : vector<1000x128xf32>
    %swap3A = arith.constant 0 : index
    %swap3A_65 = arith.constant 0 : index
    %swap3A_66 = vector.load %arg4[%swap3A, %swap3A_65] : memref<1000x128xf32, #tpu.memory_space<vmem>>, vector<1000x128xf32>
    tpu.vector_store %arg4[%swap3A, %swap3A_65], %max3A_64 {strides = array<i32>} : memref<1000x128xf32, #tpu.memory_space<vmem>>, vector<1000x128xf32>,
    return
  }
  func.func @transform_0(%arg0: i32) -> (i32, i32, i32) {
    %c0_i32 = arith.constant 0 : i32
    %c0_i32_0 = arith.constant 0 : i32
    %c0_i32_1 = arith.constant 0 : i32
    return %c0_i32, %arg0, %c0_i32_0 : i32, i32, i32
  }
  func.func @transform_1(%arg0: i32) -> (i32, i32) {
    %c0_i32 = arith.constant 0 : i32
    %c0_i32_0 = arith.constant 0 : i32
    return %arg0, %c0_i32 : i32, i32
  }
  func.func @transform_2(%arg0: i32) -> (i32, i32, i32) {
    %c0_i32 = arith.constant 0 : i32
    %c0_i32_0 = arith.constant 0 : i32
    %c0_i32_1 = arith.constant 0 : i32
    %c0_i32_2 = arith.constant 0 : i32
    return %c0_i32, %c0_i32_0, %c0_i32_1 : i32, i32, i32
  }
  func.func @transform_3(%arg0: i32) -> (i32, i32) {
    %c0_i32 = arith.constant 0 : i32
    %c0_i32_0 = arith.constant 0 : i32
    return %arg0, %c0_i32 : i32, i32
  }
}

</mosaic_0001>

<sc_bundles>
// kernel: kernel.4.cloned.1.call-start
scs
__scs_entry_jumppad:
0x0: {  	(pc) =	sbr.rel $0x88, $3  }
0x1: {  	(tag) =	ssettag $0x0;
	lr =	simm.s32 $0x1  }
0x2: {  	[smem:$0x3F99] =	sst lr;
	_ =	strace $0xD0000000  }
0x3: {  	_ = 	snop  }
0x4: {  	_ = 	snop  }
0x5: {  	_ = 	snop  }
0x6: {  	_ = 	snop  }
0x7: {  	_ = 	snop  }
__scs_overlays_trampoline_lowered:
0x8: {  	[smem:$0x3FA8] =	sst s0  }
0x9: {  	[smem:$0x3FA9] =	sst s1  }
0xa: {  	[smem:$0x3FAA] =	sst s2  }
0xb: {  	[smem:$0x3FAB] =	sst s3  }
0xc: {  	[smem:$0x3FAC] =	sst s4  }
0xd: {  	[smem:$0x3FAD] =	sst s5  }
0xe: {  	[smem:$0x3FAE] =	sst s6  }
0xf: {  	[smem:$0x3FAF] =	sst s7  }
0x10: {  	[smem:$0x3FB0] =	sst s8  }
0x11: {  	[smem:$0x3FB1] =	sst s9;
	s0 =	simm.s32 @!p0 $0x0  }
0x12: {  	s1 =	sld [smem:$0x3F97];
	s0 =	simm.s32 @p0 $0x1  }
0x13: {  	[smem:$0x3FB2] =	sst s0;
	s0 =	simm.s32 @!p1 $0x0  }
0x14: {  	s2 =	sld [smem:$0x3F96];
	s0 =	simm.s32 @p1 $0x1  }
0x15: {  	[smem:$0x3FB3] =	sst s0;
	s0 =	simm.s32 @!p2 $0x0  }
0x16: {  	s3 =	sld [smem:$0x3FDB];
	s0 =	simm.s32 @p2 $0x1  }
0x17: {  	s4 =	simm.s32 $0x1BF5;
	[smem:$0x3FB5] =	sst s0  }
0x18: {  	s0 =	sld [smem:$0x3F98];
	_ =	swait.ge [sflag:s4], $0x0  }
0x19: {  	s7 =	sld [smem:$0x3F99]  }
0x1a: {  	s8 =	sadd.s32 $0xFFFFE003, lr  }
0x1b: {  	s9 =	sadd.s32 $0xFFFFFEF7, lr;
	s5 =	simm.s32 $0xFFFFFFFF;
	p2 =	slt.u32 s8, $0xFFFFF086  }
0x1c: {  	p1 =	slt.u32 s9, $0xF7A;
	s5 =	simm.s32 @!p2 $0x0  }
0x1d: {  	s5 =	simm.s32 @p1 $0x1;
	p0 =	seq.s32 s7, s2  }
0x1e: {  	s7 =	smul.u32 @!p0 $0xF7A, s2;
	p2 =	seq.s32 @!p0 s5, $0x0  }
0x1f: {  	s9 =	smul.u32 $0xF7A, s1;
	s8 =	simm.s32 @!p0 $0x1BF5;
	p2 =	por !p2, p0  }
0x20: {  	[sflag:s8] =	ssyncset.s32 @!p0 $0xFFFFF086;
	s6 =	sadd.s32 @!p0 s3, s7;
	s7 =	simm.s32 @!p0 $0x108  }
0x21: {  	s3 =	sadd.s32 s3, s9;
	s6 =	sadd.s32 @!p0 $0x88, s6;
	s7 =	simm.s32 @p2 $0x1082  }
0x22: {  	[simem:s7], [sflag:s8] =	dma.local @!p0 [hbm:s6], $0xF7A  }
0x23: {  	s9 =	sor.u32 $0xD0000000, s2;
	s6 =	simm.s32 $0x108;
	_ =	swait.ge @!p0 [sflag:s8], $0x0  }
0x24: {  	s3 =	sadd.s32 $0x88, s3;
	s6 =	simm.s32 @!p1 $0x1082;
	[sflag:s4] =	ssyncset.s32 $0xFFFFF086  }
0x25: {  	[simem:s6], [sflag:s4] =	dma.local [hbm:s3], $0xF7A  }
0x26: {  	[smem:$0x3F99] =	sst s1;
	(tag) =	ssettag s2;
	_ =	strace s9  }
0x27: {  	s1 =	sld [smem:$0x3FA9]  }
0x28: {  	s2 =	sld [smem:$0x3FAA]  }
0x29: {  	s4 =	sld [smem:$0x3FAC]  }
0x2a: {  	p0 =	seq.s32 s5, $0x0;
	s5 =	sld [smem:$0x3FAD]  }
0x2b: {  	s6 =	sld [smem:$0x3FAE]  }
0x2c: {  	s7 =	sld [smem:$0x3FAF]  }
0x2d: {  	s3 =	simm.s32 $0x108;
	s8 =	sld [smem:$0x3FB0]  }
0x2e: {  	s3 =	simm.s32 @!p0 $0x1082;
	s9 =	sld [smem:$0x3FB1]  }
0x2f: {  	lr =	sadd.s32 s0, s3;
	s0 =	sld [smem:$0x3FA8]  }
0x30: {  	s3 =	sld [smem:$0x3FAB]  }
0x31: {  	[smem:$0x3FB4] =	sst s10  }
0x32: {  	s10 =	sld [smem:$0x3FB2];
	_ =	sdelay $0x3  }
0x33: {  	p0 =	seq.s32 s10, $0x1;
	s10 =	sld [smem:$0x3FB4];
	_ =	sdelay $0x3  }
0x34: {  	[smem:$0x3FB4] =	sst s10  }
0x35: {  	s10 =	sld [smem:$0x3FB3];
	_ =	sdelay $0x3  }
0x36: {  	p1 =	seq.s32 s10, $0x1;
	s10 =	sld [smem:$0x3FB4];
	_ =	sdelay $0x3  }
0x37: {  	[smem:$0x3FB4] =	sst s10  }
0x38: {  	s10 =	sld [smem:$0x3FB5]  }
0x39: {  	_ = 	snop;
	(pc) =	sbr.ind lr, $3  }
0x3a: {  	_ = 	snop  }
0x3b: {  	_ = 	snop  }
0x3c: {  	p2 =	seq.s32 s10, $0x1;
	s10 =	sld [smem:$0x3FB4]  }
0x3d: {  	_ =	shalt  }
0x3e: {  	_ =	shalt  }
0x3f: {  	_ =	shalt  }
0x40: {  	_ =	shalt  }
0x41: {  	_ =	shalt  }
0x42: {  	_ =	shalt  }
0x43: {  	_ =	shalt  }
0x44: {  	_ =	shalt  }
0x45: {  	_ =	shalt  }
0x46: {  	_ =	shalt  }
0x47: {  	_ =	shalt  }
0x48: {  	_ =	shalt  }
0x49: {  	_ =	shalt  }
0x4a: {  	_ =	shalt  }
0x4b: {  	_ =	shalt  }
0x4c: {  	_ =	shalt  }
0x4d: {  	_ =	shalt  }
0x4e: {  	_ =	shalt  }
0x4f: {  	_ =	shalt  }
0x50: {  	_ =	shalt  }
0x51: {  	_ =	shalt  }
0x52: {  	_ =	shalt  }
0x53: {  	_ =	shalt  }
0x54: {  	_ =	shalt  }
0x55: {  	_ =	shalt  }
0x56: {  	_ =	shalt  }
0x57: {  	_ =	shalt  }
0x58: {  	_ =	shalt  }
0x59: {  	_ =	shalt  }
0x5a: {  	_ =	shalt  }
0x5b: {  	_ =	shalt  }
0x5c: {  	_ =	shalt  }
0x5d: {  	_ =	shalt  }
0x5e: {  	_ =	shalt  }
0x5f: {  	_ =	shalt  }
0x60: {  	_ =	shalt  }
0x61: {  	_ =	shalt  }
0x62: {  	_ =	shalt  }
0x63: {  	_ =	shalt  }
0x64: {  	_ =	shalt  }
0x65: {  	_ =	shalt  }
0x66: {  	_ =	shalt  }
0x67: {  	_ =	shalt  }
0x68: {  	_ =	shalt  }
0x69: {  	_ =	shalt  }
0x6a: {  	_ =	shalt  }
0x6b: {  	_ =	shalt  }
0x6c: {  	_ =	shalt  }
0x6d: {  	_ =	shalt  }
0x6e: {  	_ =	shalt  }
0x6f: {  	_ =	shalt  }
0x70: {  	_ =	shalt  }
0x71: {  	_ =	shalt  }
0x72: {  	_ =	shalt  }
0x73: {  	_ =	shalt  }
0x74: {  	_ =	shalt  }
0x75: {  	_ =	shalt  }
0x76: {  	_ =	shalt  }
0x77: {  	_ =	shalt  }
0x78: {  	_ =	shalt  }
0x79: {  	_ =	shalt  }
0x7a: {  	_ =	shalt  }
0x7b: {  	_ =	shalt  }
0x7c: {  	_ =	shalt  }
0x7d: {  	_ =	shalt  }
0x7e: {  	_ =	shalt  }
0x7f: {  	_ =	shalt  }
0x80: {  	_ =	shalt  }
0x81: {  	_ =	shalt  }
0x82: {  	_ =	shalt  }
0x83: {  	_ =	shalt  }
0x84: {  	_ =	shalt  }
0x85: {  	_ =	shalt  }
0x86: {  	_ =	shalt  }
0x87: {  	_ =	shalt  }
.Lfunc_end0:
.L_simem_size_0:
called_computation_lowered:
.L_overlay_start_0:
0x88: {  	s2 =	sld [smem:$0x3FD9]  }
0x89: {  	s3 =	sld [smem:$0x3FFE];
	_ =	sdelay $0x1  }
0x8a: {  	s1 =	srdreg.scid  }
0x8b: {  	s0 =	sand.u32 $0x1, s1  }
0x8c: {  	s17 =	sshll.u32 s0, $0xA;
	s2 =	sadd.s32 s3, s2  }
0x8d: {  	s2 =	sadd.s32 s2, s17  }
0x8e: {  	[smem:$0x3FC0] =	sst s2  }
0x8f: {  	_ = 	snop  }
0x90: {  	s2 =	sld [smem:$0x3FC9]  }
0x91: {  	s18 =	sld [smem:$0x3FD0];
	(tm) =	ssettm $0x1  }
0x92: {  	s4 =	sld [smem:$0x3FFB];
	_ =	sdelay $0x3  }
0x93: {  	_ =	strace s4  }
0x94: {  	s4 =	sld [smem:$0x3FFC];
	_ =	sdelay $0x3  }
0x95: {  	_ =	strace s4  }
0x96: {  	s4 =	sld [smem:$0x3FFD];
	_ =	sdelay $0x3  }
0x97: {  	_ =	strace s4  }
0x98: {  	_ =	strace $0x8FFFFFFF  }
0x99: {  	s19 =	sld [smem:$0x3FDB];
	_ =	sdelay $0x1  }
0x9a: {  	s5 =	simm.s32 $_scs_section_size  }
0x9b: {  	s6 =	simm.s32 $_size__tile_overlayer_lowered;
	s7 =	simm.s32 $_tile_overlayer_lowered  }
0x9c: {  	s22 =	simm.s32 $0x1BFF;
	s21 =	sshll.u32 s7, $0x1;
	s4 =	sadd.s32 s5, s19  }
0x9d: {  	s8 =	simm.s32 $0x0;
	s20 =	sshll.u32 s6, $0x1;
	s6 =	sadd.s32 s21, s4  }
0x9e: {  	[timem:s8], [sflag:s22] =	dma.local [hbm:s6], s20  }
0x9f: {  	_ =	swait.ge [sflag:s22], s20  }
0xa0: {  	s5 =	ssub.s32 $0x0, s20;
	[sflag:s22] =	ssyncset.done $0x0  }
0xa1: {  	[sflag:s22] =	ssyncadd.s32 s5;
	_ =	sdelay $0x1  }
0xa2: {  	s23 =	simm.s32 $0x1B8B  }
0xa3: {  	_ =	swait.ge [sflag:s23], $0x1  }
0xa4: {  	[sflag:s23] =	ssyncset.done $0x0  }
0xa5: {  	s25 =	simm.s32 $0x1B8E;
	s24 =	sld [smem:$0x3FFE];
	[sflag:s23] =	ssyncadd.s32 $0xFFFFFFFF  }
0xa6: {  	s26 =	simm.s32 $execute0_lowered;
	[smem:$0x3FD2] =	sst s25  }
0xa7: {  	s6 =	sshll.u32 s26, $0x1;
	_ =	strace $0x80000046;
	[dreg:$0x1] =	wrdreg $0xFFFFFFFF  }
0xa8: {  	s28 =	simm.s32 $_size_execute0_lowered;
	s4 =	sadd.s32 s4, s6;
	[dreg:$0x0] =	wrdreg $0x0  }
0xa9: {  	s6 =	sshll.u32 s28, $0x1;
	[dreg:$0x2] =	wrdreg s4  }
0xaa: {  	[dreg:$0x3] =	wrdreg s6  }
0xab: {  	[dreg:$0x4] =	wrdreg $0xC0  }
0xac: {  	_ =	task [dreg:s8], $0x5FFFF  }
0xad: {  	[dreg:$0x1] =	wrdreg $0xFFFFFFFF  }
0xae: {  	[dreg:$0x0] =	wrdreg $0x60  }
0xaf: {  	[dreg:$0x2] =	wrdreg s2  }
0xb0: {  	[dreg:$0x3] =	wrdreg s18  }
0xb1: {  	[dreg:$0x4] =	wrdreg s24  }
0xb2: {  	[dreg:$0x5] =	wrdreg $0x0  }
0xb3: {  	[dreg:$0x6] =	wrdreg $0x9  }
0xb4: {  	_ =	task.clear_ibuf [dreg:s8], $0x7FFFF;
	_ =	strace $0x90000046  }
0xb5: {  	s29 =	simm.s32 $0x9;
	_ =	strace $0x80000048  }
0xb6: {  	_ =	swait.ge [sflag:s29], $0x1  }
0xb7: {  	[sflag:s29] =	ssyncadd.s32 $0xFFFFFFFF  }
0xb8: {  	_ =	strace $0x90000048  }
0xb9: {  	_ =	sfence  }
0xba: {  	s30 =	sld [smem:$0x0];
	_ =	sdelay $0x2  }
0xbb: {  	s31 =	sshll.u32 s1, $0xD;
	s1 =	sshrl.u32 s1, $0x2  }
0xbc: {  	s3 =	sand.u32 $0x4000, s31;
	s1 =	sadd.s32 s1, s30  }
0xbd: {  	s0 =	sor.u32 s3, s0;
	s1 =	sshll.u32 s1, $0x11  }
0xbe: {  	s0 =	sor.u32 s1, s0  }
0xbf: {  	s0 =	sadd.s32 $0x8F2B, s0  }
0xc0: {  	[sflag:s0] =	ssyncadd.remote.s32 $0x1  }
0xc1: {  	_ =	sfence.sel $0xFFFF  }
0xc2: {  	[dreg:$0x0] =	wrdreg $0xFFFFFFFF;
	(pc) =	sbr.abs _section_cstart, $3  }
0xc3: {  	[dreg:$0x1] =	wrdreg $0xFFFFFFFF  }
0xc4: {  	_ =	task.clear_ibuf [dreg:s8], $0x2FFFF;
	_ =	strace $0x9FFFFFFF  }
0xc5: {  	(tm) =	ssettm $0x7FFFFFFF  }
tec
execute0_lowered:
.L_overlay_start_1:
0x0: {  	(tag) =	ssettag $0x1  }
0x1: {  	s1 =	rddreg [dreg:$0x0]  }
0x2: {  	s0 =	rddreg [dreg:$0x1]  }
0x3: {  	s2 =	srdreg.scid;
	s5 =	rddreg [dreg:$0x2]  }
0x4: {  	s10 =	stileid.u32;
	s3 =	rddreg [dreg:$0x3]  }
0x5: {  	s4 =	simm.s32 $0x0;
	s2 =	sand.u32 $0x1, s2;
	s6 =	smul.u32 $0x14000, s10  }
0x6: {  	[smem:$0x7FF] =	sst s4;
	s9 =	sadd.s32 $0x600, s5;
	s13 =	smul.u32 $0x50000, s10  }
0x7: {  	s7 =	smul.u32 $0x3C0000, s2;
	s8 =	sshll.u32 s2, $0x4;
	s2 =	ssub.s32 $0x2, s2  }
0x8: {  	_ =	strace $0x80000047;
	s11 =	sor.u32 s10, s8;
	s12 =	sshrl.u32 s2, $0x1  }
0x9: {  	s17 =	sshrl.u32 s13, $0x2;
	s10 =	simm.s32 $0x1;
	s6 =	sadd.s32 s6, s7  }
0xa: {  	s7 =	smul.u32 $0x1400, s11;
	s2 =	ssub.s32 s2, s12;
	s8 =	sadd.s32 s17, s3  }
0xb: {  	s11 =	simm.s32 $0x1A800;
	s12 =	simm.s32 $0x2;
	s6 =	sshrl.u32 s6, $0x3  }
0xc: {  	s25 =	smax.u32 s2, $0x1;
	s26 =	sadd.s32 $0x1400, s8;
	s17 =	sadd.s32 $0x2800, s8  }
0xd: {  	s28 =	sadd.s32 $0xF000, s8;
	s29 =	sadd.s32 $0x10400, s8;
	s30 =	sadd.s32 $0x11800, s8  }
0xe: {  	s31 =	sadd.s32 $0x12C00, s8;
	s2 =	simm.s32 $0x1E800;
	[dreg:$0xe] =	wrdreg s25  }
0xf: {  	s5 =	sadd.s32 s6, s5;
	s7 =	sshrl.u32 s7, $0x3;
	[dreg:$0xf] =	wrdreg s26  }
0x10: {  	s25 =	sadd.s32 $0xC800, s8;
	s26 =	sadd.s32 $0xDC00, s8;
	s14 =	sadd.s32 s0, s7  }
0x11: {  	s15 =	sadd.s32 s9, s7;
	s16 =	sadd.s32 $0xF600, s5;
	[dreg:$0x5] =	wrdreg s14  }
0x12: {  	s18 =	sadd.s32 $0x5000, s7;
	s20 =	sadd.s32 $0xA000, s7;
	[dreg:$0x6] =	wrdreg s15  }
0x13: {  	s22 =	sadd.s32 $0x37600, s5;
	s24 =	sadd.s32 $0x5F600, s5;
	[dreg:$0x7] =	wrdreg s16  }
0x14: {  	s5 =	simm.s32 $0x14000;
	s7 =	simm.s32 $0x80;
	[dreg:$0xa] =	wrdreg s22  }
0x15: {  	s19 =	sadd.s32 s0, s18;
	s21 =	sadd.s32 s9, s18;
	[dreg:$0xd] =	wrdreg s24  }
0x16: {  	s0 =	sadd.s32 s0, s20;
	s23 =	sadd.s32 s9, s20;
	[dreg:$0x8] =	wrdreg s19  }
0x17: {  	s18 =	sadd.s32 $0x3C00, s8;
	s20 =	sadd.s32 $0x6400, s8;
	[dreg:$0x9] =	wrdreg s21  }
0x18: {  	s22 =	sadd.s32 $0x8C00, s8;
	s24 =	sadd.s32 $0xB400, s8;
	[dreg:$0xb] =	wrdreg s0  }
0x19: {  	s9 =	simm.s32 $0x16800;
	[dreg:$0xc] =	wrdreg s23;
	s19 =	sadd.s32 $0x5000, s8  }
0x1a: {  	v0 =	vimm.f32 $0.0e+00;
	s21 =	sadd.s32 $0x7800, s8;
	s23 =	sadd.s32 $0xA000, s8;
	s0 =	simm.s32 $0x3  }
.LBB2_1:
0x1b: {  	s6 =	simm.s32 $0x0;
	s13 =	simm.s32 $0x200  }
.LBB2_2:
0x1c: {  	p0 =	sne.s32 s13, $0x4E00;
	[tilespmem:s6+$0x1E870] =	vst v0  }
0x1d: {  	[tilespmem:s6+$0x1E800] =	vst v0  }
0x1e: {  	[tilespmem:s6+$0x1E810] =	vst v0  }
.Ltmp0:
0x1f: {  	[tilespmem:s6+$0x1E820] =	vst v0;
	(pc) =	sbr.rel @p0 .LBB2_2-.Ltmp0, $4  }
0x20: {  	[tilespmem:s6+$0x1E830] =	vst v0  }
0x21: {  	[tilespmem:s6+$0x1E840] =	vst v0  }
0x22: {  	[tilespmem:s6+$0x1E850] =	vst v0  }
0x23: {  	[tilespmem:s6+$0x1E860] =	vst v0;
	s6 =	sshra.s32 s13, $0x2;
	s13 =	sadd.s32 $0x200, s13  }
0x24: {  	[tilespmem:s6+$0x1E870] =	vst v0  }
0x25: {  	[tilespmem:s6+$0x1E800] =	vst v0  }
0x26: {  	[tilespmem:s6+$0x1E810] =	vst v0  }
0x27: {  	[tilespmem:s6+$0x1E820] =	vst v0  }
0x28: {  	[tilespmem:s6+$0x1E830] =	vst v0  }
0x29: {  	[tilespmem:s6+$0x1E840] =	vst v0  }
0x2a: {  	[tilespmem:s6+$0x1E850] =	vst v0  }
0x2b: {  	[tilespmem:s6+$0x1E860] =	vst v0  }
0x2c: {  	[spmem:s8] =	stream.linear.scatter [tilespmem:s2], [sflag:$0x3], $0x1400, $0x38;
	[tilespmem:$0x1FC00] =	vst v63  }
0x2d: {  	_ =	swait.ge [sflag:s0], $0x1400  }
0x2e: {  	[sflag:s0] =	ssyncset.done $0x0  }
0x2f: {  	s14 =	rddreg [dreg:$0xf];
	[sflag:s0] =	ssyncadd.s32 $0xFFFFEC00  }
0x30: {  	[spmem:s14] =	stream.linear.scatter [tilespmem:s2], [sflag:$0x3], $0x1400, $0x38;
	[tilespmem:$0x1FC00] =	vst v63  }
0x31: {  	_ =	swait.ge [sflag:s0], $0x1400  }
0x32: {  	[sflag:s0] =	ssyncset.done $0x0  }
0x33: {  	[sflag:s0] =	ssyncadd.s32 $0xFFFFEC00  }
0x34: {  	[spmem:s17] =	stream.linear.scatter [tilespmem:s2], [sflag:$0x3], $0x1400, $0x38;
	[tilespmem:$0x1FC00] =	vst v63  }
0x35: {  	_ =	swait.ge [sflag:s0], $0x1400  }
0x36: {  	[sflag:s0] =	ssyncset.done $0x0  }
0x37: {  	[sflag:s0] =	ssyncadd.s32 $0xFFFFEC00  }
0x38: {  	[spmem:s18] =	stream.linear.scatter [tilespmem:s2], [sflag:$0x3], $0x1400, $0x38;
	[tilespmem:$0x1FC00] =	vst v63  }
0x39: {  	_ =	swait.ge [sflag:s0], $0x1400  }
0x3a: {  	[sflag:s0] =	ssyncset.done $0x0  }
0x3b: {  	[sflag:s0] =	ssyncadd.s32 $0xFFFFEC00  }
0x3c: {  	[spmem:s19] =	stream.linear.scatter [tilespmem:s2], [sflag:$0x3], $0x1400, $0x38;
	[tilespmem:$0x1FC00] =	vst v63  }
0x3d: {  	_ =	swait.ge [sflag:s0], $0x1400  }
0x3e: {  	[sflag:s0] =	ssyncset.done $0x0  }
0x3f: {  	[sflag:s0] =	ssyncadd.s32 $0xFFFFEC00  }
0x40: {  	[spmem:s20] =	stream.linear.scatter [tilespmem:s2], [sflag:$0x3], $0x1400, $0x38;
	[tilespmem:$0x1FC00] =	vst v63  }
0x41: {  	_ =	swait.ge [sflag:s0], $0x1400  }
0x42: {  	[sflag:s0] =	ssyncset.done $0x0  }
0x43: {  	[sflag:s0] =	ssyncadd.s32 $0xFFFFEC00  }
0x44: {  	[spmem:s21] =	stream.linear.scatter [tilespmem:s2], [sflag:$0x3], $0x1400, $0x38;
	[tilespmem:$0x1FC00] =	vst v63  }
0x45: {  	_ =	swait.ge [sflag:s0], $0x1400  }
0x46: {  	[sflag:s0] =	ssyncset.done $0x0  }
0x47: {  	[sflag:s0] =	ssyncadd.s32 $0xFFFFEC00  }
0x48: {  	[spmem:s22] =	stream.linear.scatter [tilespmem:s2], [sflag:$0x3], $0x1400, $0x38;
	[tilespmem:$0x1FC00] =	vst v63  }
0x49: {  	_ =	swait.ge [sflag:s0], $0x1400  }
0x4a: {  	[sflag:s0] =	ssyncset.done $0x0  }
0x4b: {  	[sflag:s0] =	ssyncadd.s32 $0xFFFFEC00  }
0x4c: {  	[spmem:s23] =	stream.linear.scatter [tilespmem:s2], [sflag:$0x3], $0x1400, $0x38;
	[tilespmem:$0x1FC00] =	vst v63  }
0x4d: {  	_ =	swait.ge [sflag:s0], $0x1400  }
0x4e: {  	[sflag:s0] =	ssyncset.done $0x0  }
0x4f: {  	[sflag:s0] =	ssyncadd.s32 $0xFFFFEC00  }
0x50: {  	[spmem:s24] =	stream.linear.scatter [tilespmem:s2], [sflag:$0x3], $0x1400, $0x38;
	[tilespmem:$0x1FC00] =	vst v63  }
0x51: {  	_ =	swait.ge [sflag:s0], $0x1400  }
0x52: {  	[sflag:s0] =	ssyncset.done $0x0  }
0x53: {  	[sflag:s0] =	ssyncadd.s32 $0xFFFFEC00  }
0x54: {  	[spmem:s25] =	stream.linear.scatter [tilespmem:s2], [sflag:$0x3], $0x1400, $0x38;
	[tilespmem:$0x1FC00] =	vst v63  }
0x55: {  	_ =	swait.ge [sflag:s0], $0x1400  }
0x56: {  	[sflag:s0] =	ssyncset.done $0x0  }
0x57: {  	[sflag:s0] =	ssyncadd.s32 $0xFFFFEC00  }
0x58: {  	[spmem:s26] =	stream.linear.scatter [tilespmem:s2], [sflag:$0x3], $0x1400, $0x38;
	[tilespmem:$0x1FC00] =	vst v63  }
0x59: {  	_ =	swait.ge [sflag:s0], $0x1400  }
0x5a: {  	[sflag:s0] =	ssyncset.done $0x0  }
0x5b: {  	[sflag:s0] =	ssyncadd.s32 $0xFFFFEC00  }
0x5c: {  	[spmem:s28] =	stream.linear.scatter [tilespmem:s2], [sflag:$0x3], $0x1400, $0x38;
	[tilespmem:$0x1FC00] =	vst v63  }
0x5d: {  	_ =	swait.ge [sflag:s0], $0x1400  }
0x5e: {  	[sflag:s0] =	ssyncset.done $0x0  }
0x5f: {  	[sflag:s0] =	ssyncadd.s32 $0xFFFFEC00  }
0x60: {  	[spmem:s29] =	stream.linear.scatter [tilespmem:s2], [sflag:$0x3], $0x1400, $0x38;
	[tilespmem:$0x1FC00] =	vst v63  }
0x61: {  	_ =	swait.ge [sflag:s0], $0x1400  }
0x62: {  	[sflag:s0] =	ssyncset.done $0x0  }
0x63: {  	[sflag:s0] =	ssyncadd.s32 $0xFFFFEC00  }
0x64: {  	[spmem:s30] =	stream.linear.scatter [tilespmem:s2], [sflag:$0x3], $0x1400, $0x38;
	[tilespmem:$0x1FC00] =	vst v63  }
0x65: {  	_ =	swait.ge [sflag:s0], $0x1400  }
0x66: {  	[sflag:s0] =	ssyncset.done $0x0  }
0x67: {  	[sflag:s0] =	ssyncadd.s32 $0xFFFFEC00  }
0x68: {  	[spmem:s31] =	stream.linear.scatter [tilespmem:s2], [sflag:$0x3], $0x1400, $0x38;
	[tilespmem:$0x1FC00] =	vst v63  }
0x69: {  	_ =	swait.ge [sflag:s0], $0x1400  }
0x6a: {  	[sflag:s0] =	ssyncset.done $0x0  }
0x6b: {  	[sflag:s0] =	ssyncadd.s32 $0xFFFFEC00  }
0x6c: {  	[bflag:$0x0] =	sbarrier.arrive $0xFFFF  }
0x6d: {  	s15 =	simm.s32 $0x0;
	s13 =	rddreg [dreg:$0x5]  }
0x6e: {  	[tilespmem:s5], [sflag:$0x3] =	stream.linear.gather [hbm4b:s13+s15], $0x1400, $0x38;
	[tilespmem:$0x1FC00] =	vst v63  }
0x6f: {  	_ =	swait.ge [sflag:s0], $0x1400  }
0x70: {  	[sflag:s0] =	ssyncset.done $0x0  }
0x71: {  	s14 =	simm.s32 $0x15400;
	s16 =	rddreg [dreg:$0x6];
	[sflag:s0] =	ssyncadd.s32 $0xFFFFEC00  }
0x72: {  	[tilespmem:s14], [sflag:$0x3] =	stream.linear.gather [hbm4b:s16+s15], $0x1400, $0x38;
	[tilespmem:$0x1FC00] =	vst v63  }
0x73: {  	_ =	swait.ge [sflag:s0], $0x1400  }
0x74: {  	[sflag:s0] =	ssyncset.done $0x0  }
0x75: {  	[sflag:s0] =	ssyncadd.s32 $0xFFFFEC00  }
0x76: {  	[tilespmem:s9], [sflag:$0x1] =	stream.indirect.gather [hbm4b:s1+s7], $0x80, s5, s7, $0xb8;
	[tilespmem:$0x1FC00] =	vst v63  }
0x77: {  	_ =	swait.ge [sflag:s10], $0x4000  }
0x78: {  	[sflag:s10] =	ssyncset.done $0x0  }
0x79: {  	s13 =	simm.s32 $0x14080;
	[sflag:s10] =	ssyncadd.s32 $0xFFFFC000  }
0x7a: {  	[tilespmem:s11], [sflag:$0x2] =	stream.indirect.gather [hbm4b:s1+s7], $0x80, s13, s7, $0xb8;
	[tilespmem:$0x1FC00] =	vst v63  }
0x7b: {  	s14 =	simm.s32 $0x15400  }
0x7c: {  	[spmem:s3] =	stream.indirect.scatter.add.f32 [tilespmem:s9], [sflag:$0x3], $0x80, s14, s7, $0xb8;
	[tilespmem:$0x1FC00] =	vst v63  }
0x7d: {  	_ =	swait.ge [sflag:s0], $0x4000  }
0x7e: {  	[sflag:s0] =	ssyncset.done $0x0  }
0x7f: {  	[sflag:s0] =	ssyncadd.s32 $0xFFFFC000  }
0x80: {  	_ =	swait.ge [sflag:s12], $0x4000  }
0x81: {  	[sflag:s12] =	ssyncset.done $0x0  }
0x82: {  	s15 =	simm.s32 $0x14100;
	[sflag:s12] =	ssyncadd.s32 $0xFFFFC000  }
0x83: {  	[tilespmem:s9], [sflag:$0x1] =	stream.indirect.gather [hbm4b:s1+s7], $0x80, s15, s7, $0xb8;
	[tilespmem:$0x1FC00] =	vst v63  }
0x84: {  	s16 =	simm.s32 $0x15480  }
0x85: {  	[spmem:s3] =	stream.indirect.scatter.add.f32 [tilespmem:s11], [sflag:$0x3], $0x80, s16, s7, $0xb8;
	[tilespmem:$0x1FC00] =	vst v63  }
0x86: {  	_ =	swait.ge [sflag:s0], $0x4000  }
0x87: {  	s6 =	simm.s32 $0x400;
	[sflag:s0] =	ssyncset.done $0x0  }
.LBB2_4:
0x88: {  	p0 =	sne.s32 s6, $0x4800  }
0x89: {  	[sflag:s0] =	ssyncadd.s32 $0xFFFFC000;
	s13 =	smov.u32 s6;
	s6 =	sadd.s32 $0x400, s6  }
0x8a: {  	_ = 	snop  }
0x8b: {  	_ =	swait.ge [sflag:s10], $0x4000  }
0x8c: {  	s13 =	sshra.s32 s13, $0x2;
	[sflag:s10] =	ssyncset.done $0x0  }
0x8d: {  	s14 =	sadd.s32 $0x14080, s13;
	[sflag:s10] =	ssyncadd.s32 $0xFFFFC000  }
0x8e: {  	[tilespmem:s11], [sflag:$0x2] =	stream.indirect.gather [hbm4b:s1+s7], $0x80, s14, s7, $0xb8;
	[tilespmem:$0x1FC00] =	vst v63  }
0x8f: {  	s14 =	sadd.s32 $0x15400, s13  }
0x90: {  	[spmem:s3] =	stream.indirect.scatter.add.f32 [tilespmem:s9], [sflag:$0x3], $0x80, s14, s7, $0xb8;
	[tilespmem:$0x1FC00] =	vst v63  }
0x91: {  	_ =	swait.ge [sflag:s0], $0x4000  }
0x92: {  	[sflag:s0] =	ssyncset.done $0x0  }
0x93: {  	[sflag:s0] =	ssyncadd.s32 $0xFFFFC000  }
0x94: {  	_ =	swait.ge [sflag:s12], $0x4000  }
0x95: {  	[sflag:s12] =	ssyncset.done $0x0  }
0x96: {  	s14 =	sadd.s32 $0x14100, s13;
	[sflag:s12] =	ssyncadd.s32 $0xFFFFC000  }
0x97: {  	[tilespmem:s9], [sflag:$0x1] =	stream.indirect.gather [hbm4b:s1+s7], $0x80, s14, s7, $0xb8;
	[tilespmem:$0x1FC00] =	vst v63  }
.Ltmp1:
0x98: {  	_ = 	snop;
	(pc) =	sbr.rel @p0 .LBB2_4-.Ltmp1, $4  }
0x99: {  	s13 =	sadd.s32 $0x15480, s13  }
0x9a: {  	[spmem:s3] =	stream.indirect.scatter.add.f32 [tilespmem:s11], [sflag:$0x3], $0x80, s13, s7, $0xb8;
	[tilespmem:$0x1FC00] =	vst v63  }
0x9b: {  	_ =	swait.ge [sflag:s0], $0x4000  }
0x9c: {  	[sflag:s0] =	ssyncset.done $0x0  }
0x9d: {  	[sflag:s0] =	ssyncadd.s32 $0xFFFFC000  }
0x9e: {  	_ =	swait.ge [sflag:s10], $0x4000  }
0x9f: {  	[sflag:s10] =	ssyncset.done $0x0  }
0xa0: {  	s6 =	simm.s32 $0x15380;
	[sflag:s10] =	ssyncadd.s32 $0xFFFFC000  }
0xa1: {  	[tilespmem:s11], [sflag:$0x2] =	stream.indirect.gather [hbm4b:s1+s7], $0x80, s6, s7, $0xb8;
	[tilespmem:$0x1FC00] =	vst v63  }
0xa2: {  	s13 =	simm.s32 $0x16700  }
0xa3: {  	[spmem:s3] =	stream.indirect.scatter.add.f32 [tilespmem:s9], [sflag:$0x3], $0x80, s13, s7, $0xb8;
	[tilespmem:$0x1FC00] =	vst v63  }
0xa4: {  	_ =	swait.ge [sflag:s0], $0x4000  }
0xa5: {  	[sflag:s0] =	ssyncset.done $0x0  }
0xa6: {  	[sflag:s0] =	ssyncadd.s32 $0xFFFFC000  }
0xa7: {  	_ =	swait.ge [sflag:s12], $0x4000  }
0xa8: {  	[sflag:s12] =	ssyncset.done $0x0  }
0xa9: {  	s14 =	simm.s32 $0x16780;
	[sflag:s12] =	ssyncadd.s32 $0xFFFFC000  }
0xaa: {  	[spmem:s3] =	stream.indirect.scatter.add.f32 [tilespmem:s11], [sflag:$0x3], $0x80, s14, s7, $0xb8;
	[tilespmem:$0x1FC00] =	vst v63  }
0xab: {  	_ =	swait.ge [sflag:s0], $0x4000  }
0xac: {  	[sflag:s0] =	ssyncset.done $0x0  }
0xad: {  	s15 =	stileid.u32;
	[sflag:s0] =	ssyncadd.s32 $0xFFFFC000  }
0xae: {  	s6 =	sshll.u32 s15, $0x6;
	[bflag:$0x0] =	sbarrier.arrive $0xFFFF  }
0xaf: {  	s6 =	sor.u32 $0x1C03, s6;
	s13 =	sshrl.u32 s8, $0x3;
	s14 =	rddreg [dreg:$0x7]  }
0xb0: {  	[hbm:s14], [sflag:s6] =	dma.local [spmem:s13], $0x2800  }
0xb1: {  	_ =	swait.ge [sflag:s0], $0x2800  }
0xb2: {  	[sflag:s0] =	ssyncset.done $0x0  }
0xb3: {  	[sflag:s0] =	ssyncadd.s32 $0xFFFFD800  }
0xb4: {  	[spmem:s8] =	stream.linear.scatter [tilespmem:s2], [sflag:$0x3], $0x1400, $0x38;
	[tilespmem:$0x1FC00] =	vst v63  }
0xb5: {  	_ =	swait.ge [sflag:s0], $0x1400  }
0xb6: {  	[sflag:s0] =	ssyncset.done $0x0  }
0xb7: {  	s16 =	rddreg [dreg:$0xf];
	[sflag:s0] =	ssyncadd.s32 $0xFFFFEC00  }
0xb8: {  	[spmem:s16] =	stream.linear.scatter [tilespmem:s2], [sflag:$0x3], $0x1400, $0x38;
	[tilespmem:$0x1FC00] =	vst v63  }
0xb9: {  	_ =	swait.ge [sflag:s0], $0x1400  }
0xba: {  	[sflag:s0] =	ssyncset.done $0x0  }
0xbb: {  	[sflag:s0] =	ssyncadd.s32 $0xFFFFEC00  }
0xbc: {  	[spmem:s17] =	stream.linear.scatter [tilespmem:s2], [sflag:$0x3], $0x1400, $0x38;
	[tilespmem:$0x1FC00] =	vst v63  }
0xbd: {  	_ =	swait.ge [sflag:s0], $0x1400  }
0xbe: {  	[sflag:s0] =	ssyncset.done $0x0  }
0xbf: {  	[sflag:s0] =	ssyncadd.s32 $0xFFFFEC00  }
0xc0: {  	[spmem:s18] =	stream.linear.scatter [tilespmem:s2], [sflag:$0x3], $0x1400, $0x38;
	[tilespmem:$0x1FC00] =	vst v63  }
0xc1: {  	_ =	swait.ge [sflag:s0], $0x1400  }
0xc2: {  	[sflag:s0] =	ssyncset.done $0x0  }
0xc3: {  	[sflag:s0] =	ssyncadd.s32 $0xFFFFEC00  }
0xc4: {  	[spmem:s19] =	stream.linear.scatter [tilespmem:s2], [sflag:$0x3], $0x1400, $0x38;
	[tilespmem:$0x1FC00] =	vst v63  }
0xc5: {  	_ =	swait.ge [sflag:s0], $0x1400  }
0xc6: {  	[sflag:s0] =	ssyncset.done $0x0  }
0xc7: {  	[sflag:s0] =	ssyncadd.s32 $0xFFFFEC00  }
0xc8: {  	[spmem:s20] =	stream.linear.scatter [tilespmem:s2], [sflag:$0x3], $0x1400, $0x38;
	[tilespmem:$0x1FC00] =	vst v63  }
0xc9: {  	_ =	swait.ge [sflag:s0], $0x1400  }
0xca: {  	[sflag:s0] =	ssyncset.done $0x0  }
0xcb: {  	[sflag:s0] =	ssyncadd.s32 $0xFFFFEC00  }
0xcc: {  	[spmem:s21] =	stream.linear.scatter [tilespmem:s2], [sflag:$0x3], $0x1400, $0x38;
	[tilespmem:$0x1FC00] =	vst v63  }
0xcd: {  	_ =	swait.ge [sflag:s0], $0x1400  }
0xce: {  	[sflag:s0] =	ssyncset.done $0x0  }
0xcf: {  	[sflag:s0] =	ssyncadd.s32 $0xFFFFEC00  }
0xd0: {  	[spmem:s22] =	stream.linear.scatter [tilespmem:s2], [sflag:$0x3], $0x1400, $0x38;
	[tilespmem:$0x1FC00] =	vst v63  }
0xd1: {  	_ =	swait.ge [sflag:s0], $0x1400  }
0xd2: {  	[sflag:s0] =	ssyncset.done $0x0  }
0xd3: {  	[sflag:s0] =	ssyncadd.s32 $0xFFFFEC00  }
0xd4: {  	[spmem:s23] =	stream.linear.scatter [tilespmem:s2], [sflag:$0x3], $0x1400, $0x38;
	[tilespmem:$0x1FC00] =	vst v63  }
0xd5: {  	_ =	swait.ge [sflag:s0], $0x1400  }
0xd6: {  	[sflag:s0] =	ssyncset.done $0x0  }
0xd7: {  	[sflag:s0] =	ssyncadd.s32 $0xFFFFEC00  }
0xd8: {  	[spmem:s24] =	stream.linear.scatter [tilespmem:s2], [sflag:$0x3], $0x1400, $0x38;
	[tilespmem:$0x1FC00] =	vst v63  }
0xd9: {  	_ =	swait.ge [sflag:s0], $0x1400  }
0xda: {  	[sflag:s0] =	ssyncset.done $0x0  }
0xdb: {  	[sflag:s0] =	ssyncadd.s32 $0xFFFFEC00  }
0xdc: {  	[spmem:s25] =	stream.linear.scatter [tilespmem:s2], [sflag:$0x3], $0x1400, $0x38;
	[tilespmem:$0x1FC00] =	vst v63  }
0xdd: {  	_ =	swait.ge [sflag:s0], $0x1400  }
0xde: {  	[sflag:s0] =	ssyncset.done $0x0  }
0xdf: {  	[sflag:s0] =	ssyncadd.s32 $0xFFFFEC00  }
0xe0: {  	[spmem:s26] =	stream.linear.scatter [tilespmem:s2], [sflag:$0x3], $0x1400, $0x38;
	[tilespmem:$0x1FC00] =	vst v63  }
0xe1: {  	_ =	swait.ge [sflag:s0], $0x1400  }
0xe2: {  	[sflag:s0] =	ssyncset.done $0x0  }
0xe3: {  	[sflag:s0] =	ssyncadd.s32 $0xFFFFEC00  }
0xe4: {  	[spmem:s28] =	stream.linear.scatter [tilespmem:s2], [sflag:$0x3], $0x1400, $0x38;
	[tilespmem:$0x1FC00] =	vst v63  }
0xe5: {  	_ =	swait.ge [sflag:s0], $0x1400  }
0xe6: {  	[sflag:s0] =	ssyncset.done $0x0  }
0xe7: {  	[sflag:s0] =	ssyncadd.s32 $0xFFFFEC00  }
0xe8: {  	[spmem:s29] =	stream.linear.scatter [tilespmem:s2], [sflag:$0x3], $0x1400, $0x38;
	[tilespmem:$0x1FC00] =	vst v63  }
0xe9: {  	_ =	swait.ge [sflag:s0], $0x1400  }
0xea: {  	[sflag:s0] =	ssyncset.done $0x0  }
0xeb: {  	[sflag:s0] =	ssyncadd.s32 $0xFFFFEC00  }
0xec: {  	[spmem:s30] =	stream.linear.scatter [tilespmem:s2], [sflag:$0x3], $0x1400, $0x38;
	[tilespmem:$0x1FC00] =	vst v63  }
0xed: {  	_ =	swait.ge [sflag:s0], $0x1400  }
0xee: {  	[sflag:s0] =	ssyncset.done $0x0  }
0xef: {  	[sflag:s0] =	ssyncadd.s32 $0xFFFFEC00  }
0xf0: {  	[spmem:s31] =	stream.linear.scatter [tilespmem:s2], [sflag:$0x3], $0x1400, $0x38;
	[tilespmem:$0x1FC00] =	vst v63  }
0xf1: {  	_ =	swait.ge [sflag:s0], $0x1400  }
0xf2: {  	[sflag:s0] =	ssyncset.done $0x0  }
0xf3: {  	[sflag:s0] =	ssyncadd.s32 $0xFFFFEC00  }
0xf4: {  	[bflag:$0x0] =	sbarrier.arrive $0xFFFF  }
0xf5: {  	s14 =	simm.s32 $0x0;
	s15 =	rddreg [dreg:$0x8]  }
0xf6: {  	[tilespmem:s5], [sflag:$0x3] =	stream.linear.gather [hbm4b:s15+s14], $0x1400, $0x38;
	[tilespmem:$0x1FC00] =	vst v63  }
0xf7: {  	_ =	swait.ge [sflag:s0], $0x1400  }
0xf8: {  	[sflag:s0] =	ssyncset.done $0x0  }
0xf9: {  	s16 =	simm.s32 $0x15400;
	s15 =	rddreg [dreg:$0x9];
	[sflag:s0] =	ssyncadd.s32 $0xFFFFEC00  }
0xfa: {  	[tilespmem:s16], [sflag:$0x3] =	stream.linear.gather [hbm4b:s15+s14], $0x1400, $0x38;
	[tilespmem:$0x1FC00] =	vst v63  }
0xfb: {  	_ =	swait.ge [sflag:s0], $0x1400  }
0xfc: {  	[sflag:s0] =	ssyncset.done $0x0  }
0xfd: {  	[sflag:s0] =	ssyncadd.s32 $0xFFFFEC00  }
0xfe: {  	[tilespmem:s9], [sflag:$0x1] =	stream.indirect.gather [hbm4b:s1+s7], $0x80, s5, s7, $0xb8;
	[tilespmem:$0x1FC00] =	vst v63  }
0xff: {  	_ =	swait.ge [sflag:s10], $0x4000  }
0x100: {  	[sflag:s10] =	ssyncset.done $0x0  }
0x101: {  	s15 =	simm.s32 $0x14080;
	[sflag:s10] =	ssyncadd.s32 $0xFFFFC000  }
0x102: {  	[tilespmem:s11], [sflag:$0x2] =	stream.indirect.gather [hbm4b:s1+s7], $0x80, s15, s7, $0xb8;
	[tilespmem:$0x1FC00] =	vst v63  }
0x103: {  	s16 =	simm.s32 $0x15400  }
0x104: {  	[spmem:s3] =	stream.indirect.scatter.add.f32 [tilespmem:s9], [sflag:$0x3], $0x80, s16, s7, $0xb8;
	[tilespmem:$0x1FC00] =	vst v63  }
0x105: {  	_ =	swait.ge [sflag:s0], $0x4000  }
0x106: {  	[sflag:s0] =	ssyncset.done $0x0  }
0x107: {  	[sflag:s0] =	ssyncadd.s32 $0xFFFFC000  }
0x108: {  	_ =	swait.ge [sflag:s12], $0x4000  }
0x109: {  	[sflag:s12] =	ssyncset.done $0x0  }
0x10a: {  	s15 =	simm.s32 $0x14100;
	[sflag:s12] =	ssyncadd.s32 $0xFFFFC000  }
0x10b: {  	[tilespmem:s9], [sflag:$0x1] =	stream.indirect.gather [hbm4b:s1+s7], $0x80, s15, s7, $0xb8;
	[tilespmem:$0x1FC00] =	vst v63  }
0x10c: {  	s16 =	simm.s32 $0x15480  }
0x10d: {  	[spmem:s3] =	stream.indirect.scatter.add.f32 [tilespmem:s11], [sflag:$0x3], $0x80, s16, s7, $0xb8;
	[tilespmem:$0x1FC00] =	vst v63  }
0x10e: {  	_ =	swait.ge [sflag:s0], $0x4000  }
0x10f: {  	s14 =	simm.s32 $0x400;
	[sflag:s0] =	ssyncset.done $0x0  }
.LBB2_6:
0x110: {  	p0 =	sne.s32 s14, $0x4800  }
0x111: {  	[sflag:s0] =	ssyncadd.s32 $0xFFFFC000;
	s15 =	smov.u32 s14;
	s14 =	sadd.s32 $0x400, s14  }
0x112: {  	_ = 	snop  }
0x113: {  	_ =	swait.ge [sflag:s10], $0x4000  }
0x114: {  	s15 =	sshra.s32 s15, $0x2;
	[sflag:s10] =	ssyncset.done $0x0  }
0x115: {  	s16 =	sadd.s32 $0x14080, s15;
	[sflag:s10] =	ssyncadd.s32 $0xFFFFC000  }
0x116: {  	[tilespmem:s11], [sflag:$0x2] =	stream.indirect.gather [hbm4b:s1+s7], $0x80, s16, s7, $0xb8;
	[tilespmem:$0x1FC00] =	vst v63  }
0x117: {  	s16 =	sadd.s32 $0x15400, s15  }
0x118: {  	[spmem:s3] =	stream.indirect.scatter.add.f32 [tilespmem:s9], [sflag:$0x3], $0x80, s16, s7, $0xb8;
	[tilespmem:$0x1FC00] =	vst v63  }
0x119: {  	_ =	swait.ge [sflag:s0], $0x4000  }
0x11a: {  	[sflag:s0] =	ssyncset.done $0x0  }
0x11b: {  	[sflag:s0] =	ssyncadd.s32 $0xFFFFC000  }
0x11c: {  	_ =	swait.ge [sflag:s12], $0x4000  }
0x11d: {  	[sflag:s12] =	ssyncset.done $0x0  }
0x11e: {  	s16 =	sadd.s32 $0x14100, s15;
	[sflag:s12] =	ssyncadd.s32 $0xFFFFC000  }
0x11f: {  	[tilespmem:s9], [sflag:$0x1] =	stream.indirect.gather [hbm4b:s1+s7], $0x80, s16, s7, $0xb8;
	[tilespmem:$0x1FC00] =	vst v63  }
.Ltmp2:
0x120: {  	_ = 	snop;
	(pc) =	sbr.rel @p0 .LBB2_6-.Ltmp2, $4  }
0x121: {  	s15 =	sadd.s32 $0x15480, s15  }
0x122: {  	[spmem:s3] =	stream.indirect.scatter.add.f32 [tilespmem:s11], [sflag:$0x3], $0x80, s15, s7, $0xb8;
	[tilespmem:$0x1FC00] =	vst v63  }
0x123: {  	_ =	swait.ge [sflag:s0], $0x4000  }
0x124: {  	[sflag:s0] =	ssyncset.done $0x0  }
0x125: {  	[sflag:s0] =	ssyncadd.s32 $0xFFFFC000  }
0x126: {  	_ =	swait.ge [sflag:s10], $0x4000  }
0x127: {  	[sflag:s10] =	ssyncset.done $0x0  }
0x128: {  	s14 =	simm.s32 $0x15380;
	[sflag:s10] =	ssyncadd.s32 $0xFFFFC000  }
0x129: {  	[tilespmem:s11], [sflag:$0x2] =	stream.indirect.gather [hbm4b:s1+s7], $0x80, s14, s7, $0xb8;
	[tilespmem:$0x1FC00] =	vst v63  }
0x12a: {  	s15 =	simm.s32 $0x16700  }
0x12b: {  	[spmem:s3] =	stream.indirect.scatter.add.f32 [tilespmem:s9], [sflag:$0x3], $0x80, s15, s7, $0xb8;
	[tilespmem:$0x1FC00] =	vst v63  }
0x12c: {  	_ =	swait.ge [sflag:s0], $0x4000  }
0x12d: {  	[sflag:s0] =	ssyncset.done $0x0  }
0x12e: {  	[sflag:s0] =	ssyncadd.s32 $0xFFFFC000  }
0x12f: {  	_ =	swait.ge [sflag:s12], $0x4000  }
0x130: {  	[sflag:s12] =	ssyncset.done $0x0  }
0x131: {  	s16 =	simm.s32 $0x16780;
	[sflag:s12] =	ssyncadd.s32 $0xFFFFC000  }
0x132: {  	[spmem:s3] =	stream.indirect.scatter.add.f32 [tilespmem:s11], [sflag:$0x3], $0x80, s16, s7, $0xb8;
	[tilespmem:$0x1FC00] =	vst v63  }
0x133: {  	_ =	swait.ge [sflag:s0], $0x4000  }
0x134: {  	[sflag:s0] =	ssyncset.done $0x0  }
0x135: {  	[sflag:s0] =	ssyncadd.s32 $0xFFFFC000  }
0x136: {  	[bflag:$0x0] =	sbarrier.arrive $0xFFFF  }
0x137: {  	s15 =	rddreg [dreg:$0xa]  }
0x138: {  	[hbm:s15], [sflag:s6] =	dma.local [spmem:s13], $0x2800  }
0x139: {  	_ =	swait.ge [sflag:s0], $0x2800  }
0x13a: {  	[sflag:s0] =	ssyncset.done $0x0  }
0x13b: {  	[sflag:s0] =	ssyncadd.s32 $0xFFFFD800  }
0x13c: {  	[spmem:s8] =	stream.linear.scatter [tilespmem:s2], [sflag:$0x3], $0x1400, $0x38;
	[tilespmem:$0x1FC00] =	vst v63  }
0x13d: {  	_ =	swait.ge [sflag:s0], $0x1400  }
0x13e: {  	[sflag:s0] =	ssyncset.done $0x0  }
0x13f: {  	s16 =	rddreg [dreg:$0xf];
	[sflag:s0] =	ssyncadd.s32 $0xFFFFEC00  }
0x140: {  	[spmem:s16] =	stream.linear.scatter [tilespmem:s2], [sflag:$0x3], $0x1400, $0x38;
	[tilespmem:$0x1FC00] =	vst v63  }
0x141: {  	_ =	swait.ge [sflag:s0], $0x1400  }
0x142: {  	[sflag:s0] =	ssyncset.done $0x0  }
0x143: {  	[sflag:s0] =	ssyncadd.s32 $0xFFFFEC00  }
0x144: {  	[spmem:s17] =	stream.linear.scatter [tilespmem:s2], [sflag:$0x3], $0x1400, $0x38;
	[tilespmem:$0x1FC00] =	vst v63  }
0x145: {  	_ =	swait.ge [sflag:s0], $0x1400  }
0x146: {  	[sflag:s0] =	ssyncset.done $0x0  }
0x147: {  	[sflag:s0] =	ssyncadd.s32 $0xFFFFEC00  }
0x148: {  	[spmem:s18] =	stream.linear.scatter [tilespmem:s2], [sflag:$0x3], $0x1400, $0x38;
	[tilespmem:$0x1FC00] =	vst v63  }
0x149: {  	_ =	swait.ge [sflag:s0], $0x1400  }
0x14a: {  	[sflag:s0] =	ssyncset.done $0x0  }
0x14b: {  	[sflag:s0] =	ssyncadd.s32 $0xFFFFEC00  }
0x14c: {  	[spmem:s19] =	stream.linear.scatter [tilespmem:s2], [sflag:$0x3], $0x1400, $0x38;
	[tilespmem:$0x1FC00] =	vst v63  }
0x14d: {  	_ =	swait.ge [sflag:s0], $0x1400  }
0x14e: {  	[sflag:s0] =	ssyncset.done $0x0  }
0x14f: {  	[sflag:s0] =	ssyncadd.s32 $0xFFFFEC00  }
0x150: {  	[spmem:s20] =	stream.linear.scatter [tilespmem:s2], [sflag:$0x3], $0x1400, $0x38;
	[tilespmem:$0x1FC00] =	vst v63  }
0x151: {  	_ =	swait.ge [sflag:s0], $0x1400  }
0x152: {  	[sflag:s0] =	ssyncset.done $0x0  }
0x153: {  	[sflag:s0] =	ssyncadd.s32 $0xFFFFEC00  }
0x154: {  	[spmem:s21] =	stream.linear.scatter [tilespmem:s2], [sflag:$0x3], $0x1400, $0x38;
	[tilespmem:$0x1FC00] =	vst v63  }
0x155: {  	_ =	swait.ge [sflag:s0], $0x1400  }
0x156: {  	[sflag:s0] =	ssyncset.done $0x0  }
0x157: {  	[sflag:s0] =	ssyncadd.s32 $0xFFFFEC00  }
0x158: {  	[spmem:s22] =	stream.linear.scatter [tilespmem:s2], [sflag:$0x3], $0x1400, $0x38;
	[tilespmem:$0x1FC00] =	vst v63  }
0x159: {  	_ =	swait.ge [sflag:s0], $0x1400  }
0x15a: {  	[sflag:s0] =	ssyncset.done $0x0  }
0x15b: {  	[sflag:s0] =	ssyncadd.s32 $0xFFFFEC00  }
0x15c: {  	[spmem:s23] =	stream.linear.scatter [tilespmem:s2], [sflag:$0x3], $0x1400, $0x38;
	[tilespmem:$0x1FC00] =	vst v63  }
0x15d: {  	_ =	swait.ge [sflag:s0], $0x1400  }
0x15e: {  	[sflag:s0] =	ssyncset.done $0x0  }
0x15f: {  	[sflag:s0] =	ssyncadd.s32 $0xFFFFEC00  }
0x160: {  	[spmem:s24] =	stream.linear.scatter [tilespmem:s2], [sflag:$0x3], $0x1400, $0x38;
	[tilespmem:$0x1FC00] =	vst v63  }
0x161: {  	_ =	swait.ge [sflag:s0], $0x1400  }
0x162: {  	[sflag:s0] =	ssyncset.done $0x0  }
0x163: {  	[sflag:s0] =	ssyncadd.s32 $0xFFFFEC00  }
0x164: {  	[spmem:s25] =	stream.linear.scatter [tilespmem:s2], [sflag:$0x3], $0x1400, $0x38;
	[tilespmem:$0x1FC00] =	vst v63  }
0x165: {  	_ =	swait.ge [sflag:s0], $0x1400  }
0x166: {  	[sflag:s0] =	ssyncset.done $0x0  }
0x167: {  	[sflag:s0] =	ssyncadd.s32 $0xFFFFEC00  }
0x168: {  	[spmem:s26] =	stream.linear.scatter [tilespmem:s2], [sflag:$0x3], $0x1400, $0x38;
	[tilespmem:$0x1FC00] =	vst v63  }
0x169: {  	_ =	swait.ge [sflag:s0], $0x1400  }
0x16a: {  	[sflag:s0] =	ssyncset.done $0x0  }
0x16b: {  	[sflag:s0] =	ssyncadd.s32 $0xFFFFEC00  }
0x16c: {  	[spmem:s28] =	stream.linear.scatter [tilespmem:s2], [sflag:$0x3], $0x1400, $0x38;
	[tilespmem:$0x1FC00] =	vst v63  }
0x16d: {  	_ =	swait.ge [sflag:s0], $0x1400  }
0x16e: {  	[sflag:s0] =	ssyncset.done $0x0  }
0x16f: {  	[sflag:s0] =	ssyncadd.s32 $0xFFFFEC00  }
0x170: {  	[spmem:s29] =	stream.linear.scatter [tilespmem:s2], [sflag:$0x3], $0x1400, $0x38;
	[tilespmem:$0x1FC00] =	vst v63  }
0x171: {  	_ =	swait.ge [sflag:s0], $0x1400  }
0x172: {  	[sflag:s0] =	ssyncset.done $0x0  }
0x173: {  	[sflag:s0] =	ssyncadd.s32 $0xFFFFEC00  }
0x174: {  	[spmem:s30] =	stream.linear.scatter [tilespmem:s2], [sflag:$0x3], $0x1400, $0x38;
	[tilespmem:$0x1FC00] =	vst v63  }
0x175: {  	_ =	swait.ge [sflag:s0], $0x1400  }
0x176: {  	[sflag:s0] =	ssyncset.done $0x0  }
0x177: {  	[sflag:s0] =	ssyncadd.s32 $0xFFFFEC00  }
0x178: {  	[spmem:s31] =	stream.linear.scatter [tilespmem:s2], [sflag:$0x3], $0x1400, $0x38;
	[tilespmem:$0x1FC00] =	vst v63  }
0x179: {  	_ =	swait.ge [sflag:s0], $0x1400  }
0x17a: {  	[sflag:s0] =	ssyncset.done $0x0  }
0x17b: {  	[sflag:s0] =	ssyncadd.s32 $0xFFFFEC00  }
0x17c: {  	[bflag:$0x0] =	sbarrier.arrive $0xFFFF  }
0x17d: {  	s14 =	simm.s32 $0x0;
	s15 =	rddreg [dreg:$0xb]  }
0x17e: {  	[tilespmem:s5], [sflag:$0x3] =	stream.linear.gather [hbm4b:s15+s14], $0x1400, $0x38;
	[tilespmem:$0x1FC00] =	vst v63  }
0x17f: {  	_ =	swait.ge [sflag:s0], $0x1400  }
0x180: {  	[sflag:s0] =	ssyncset.done $0x0  }
0x181: {  	s16 =	simm.s32 $0x15400;
	s15 =	rddreg [dreg:$0xc];
	[sflag:s0] =	ssyncadd.s32 $0xFFFFEC00  }
0x182: {  	[tilespmem:s16], [sflag:$0x3] =	stream.linear.gather [hbm4b:s15+s14], $0x1400, $0x38;
	[tilespmem:$0x1FC00] =	vst v63  }
0x183: {  	_ =	swait.ge [sflag:s0], $0x1400  }
0x184: {  	[sflag:s0] =	ssyncset.done $0x0  }
0x185: {  	[sflag:s0] =	ssyncadd.s32 $0xFFFFEC00  }
0x186: {  	[tilespmem:s9], [sflag:$0x1] =	stream.indirect.gather [hbm4b:s1+s7], $0x80, s5, s7, $0xb8;
	[tilespmem:$0x1FC00] =	vst v63  }
0x187: {  	_ =	swait.ge [sflag:s10], $0x4000  }
0x188: {  	[sflag:s10] =	ssyncset.done $0x0  }
0x189: {  	s15 =	simm.s32 $0x14080;
	[sflag:s10] =	ssyncadd.s32 $0xFFFFC000  }
0x18a: {  	[tilespmem:s11], [sflag:$0x2] =	stream.indirect.gather [hbm4b:s1+s7], $0x80, s15, s7, $0xb8;
	[tilespmem:$0x1FC00] =	vst v63  }
0x18b: {  	s16 =	simm.s32 $0x15400  }
0x18c: {  	[spmem:s3] =	stream.indirect.scatter.add.f32 [tilespmem:s9], [sflag:$0x3], $0x80, s16, s7, $0xb8;
	[tilespmem:$0x1FC00] =	vst v63  }
0x18d: {  	_ =	swait.ge [sflag:s0], $0x4000  }
0x18e: {  	[sflag:s0] =	ssyncset.done $0x0  }
0x18f: {  	[sflag:s0] =	ssyncadd.s32 $0xFFFFC000  }
0x190: {  	_ =	swait.ge [sflag:s12], $0x4000  }
0x191: {  	[sflag:s12] =	ssyncset.done $0x0  }
0x192: {  	s15 =	simm.s32 $0x14100;
	[sflag:s12] =	ssyncadd.s32 $0xFFFFC000  }
0x193: {  	[tilespmem:s9], [sflag:$0x1] =	stream.indirect.gather [hbm4b:s1+s7], $0x80, s15, s7, $0xb8;
	[tilespmem:$0x1FC00] =	vst v63  }
0x194: {  	s16 =	simm.s32 $0x15480  }
0x195: {  	[spmem:s3] =	stream.indirect.scatter.add.f32 [tilespmem:s11], [sflag:$0x3], $0x80, s16, s7, $0xb8;
	[tilespmem:$0x1FC00] =	vst v63  }
0x196: {  	_ =	swait.ge [sflag:s0], $0x4000  }
0x197: {  	s14 =	simm.s32 $0x400;
	[sflag:s0] =	ssyncset.done $0x0  }
.LBB2_8:
0x198: {  	p0 =	sne.s32 s14, $0x4800  }
0x199: {  	[sflag:s0] =	ssyncadd.s32 $0xFFFFC000;
	s15 =	smov.u32 s14;
	s14 =	sadd.s32 $0x400, s14  }
0x19a: {  	_ = 	snop  }
0x19b: {  	_ =	swait.ge [sflag:s10], $0x4000  }
0x19c: {  	s15 =	sshra.s32 s15, $0x2;
	[sflag:s10] =	ssyncset.done $0x0  }
0x19d: {  	s16 =	sadd.s32 $0x14080, s15;
	[sflag:s10] =	ssyncadd.s32 $0xFFFFC000  }
0x19e: {  	[tilespmem:s11], [sflag:$0x2] =	stream.indirect.gather [hbm4b:s1+s7], $0x80, s16, s7, $0xb8;
	[tilespmem:$0x1FC00] =	vst v63  }
0x19f: {  	s16 =	sadd.s32 $0x15400, s15  }
0x1a0: {  	[spmem:s3] =	stream.indirect.scatter.add.f32 [tilespmem:s9], [sflag:$0x3], $0x80, s16, s7, $0xb8;
	[tilespmem:$0x1FC00] =	vst v63  }
0x1a1: {  	_ =	swait.ge [sflag:s0], $0x4000  }
0x1a2: {  	[sflag:s0] =	ssyncset.done $0x0  }
0x1a3: {  	[sflag:s0] =	ssyncadd.s32 $0xFFFFC000  }
0x1a4: {  	_ =	swait.ge [sflag:s12], $0x4000  }
0x1a5: {  	[sflag:s12] =	ssyncset.done $0x0  }
0x1a6: {  	s16 =	sadd.s32 $0x14100, s15;
	[sflag:s12] =	ssyncadd.s32 $0xFFFFC000  }
0x1a7: {  	[tilespmem:s9], [sflag:$0x1] =	stream.indirect.gather [hbm4b:s1+s7], $0x80, s16, s7, $0xb8;
	[tilespmem:$0x1FC00] =	vst v63  }
.Ltmp3:
0x1a8: {  	_ = 	snop;
	(pc) =	sbr.rel @p0 .LBB2_8-.Ltmp3, $4  }
0x1a9: {  	s15 =	sadd.s32 $0x15480, s15  }
0x1aa: {  	[spmem:s3] =	stream.indirect.scatter.add.f32 [tilespmem:s11], [sflag:$0x3], $0x80, s15, s7, $0xb8;
	[tilespmem:$0x1FC00] =	vst v63  }
0x1ab: {  	_ =	swait.ge [sflag:s0], $0x4000  }
0x1ac: {  	[sflag:s0] =	ssyncset.done $0x0  }
0x1ad: {  	[sflag:s0] =	ssyncadd.s32 $0xFFFFC000  }
0x1ae: {  	_ =	swait.ge [sflag:s10], $0x4000  }
0x1af: {  	[sflag:s10] =	ssyncset.done $0x0  }
0x1b0: {  	s14 =	simm.s32 $0x15380;
	[sflag:s10] =	ssyncadd.s32 $0xFFFFC000  }
0x1b1: {  	[tilespmem:s11], [sflag:$0x2] =	stream.indirect.gather [hbm4b:s1+s7], $0x80, s14, s7, $0xb8;
	[tilespmem:$0x1FC00] =	vst v63  }
0x1b2: {  	s15 =	simm.s32 $0x16700  }
0x1b3: {  	[spmem:s3] =	stream.indirect.scatter.add.f32 [tilespmem:s9], [sflag:$0x3], $0x80, s15, s7, $0xb8;
	[tilespmem:$0x1FC00] =	vst v63  }
0x1b4: {  	_ =	swait.ge [sflag:s0], $0x4000  }
0x1b5: {  	[sflag:s0] =	ssyncset.done $0x0  }
0x1b6: {  	[sflag:s0] =	ssyncadd.s32 $0xFFFFC000  }
0x1b7: {  	_ =	swait.ge [sflag:s12], $0x4000  }
0x1b8: {  	[sflag:s12] =	ssyncset.done $0x0  }
0x1b9: {  	s16 =	simm.s32 $0x16780;
	[sflag:s12] =	ssyncadd.s32 $0xFFFFC000  }
0x1ba: {  	[spmem:s3] =	stream.indirect.scatter.add.f32 [tilespmem:s11], [sflag:$0x3], $0x80, s16, s7, $0xb8;
	[tilespmem:$0x1FC00] =	vst v63  }
0x1bb: {  	_ =	swait.ge [sflag:s0], $0x4000  }
0x1bc: {  	[sflag:s0] =	ssyncset.done $0x0  }
0x1bd: {  	[sflag:s0] =	ssyncadd.s32 $0xFFFFC000  }
0x1be: {  	[bflag:$0x0] =	sbarrier.arrive $0xFFFF  }
0x1bf: {  	s15 =	rddreg [dreg:$0xd]  }
0x1c0: {  	[hbm:s15], [sflag:s6] =	dma.local [spmem:s13], $0x2800  }
0x1c1: {  	_ =	swait.ge [sflag:s0], $0x2800  }
0x1c2: {  	s4 =	sadd.s32 $0x1, s4;
	s16 =	rddreg [dreg:$0xe]  }
0x1c3: {  	p0 =	sne.s32 s4, s16  }
.Ltmp4:
0x1c4: {  	_ = 	snop;
	(pc) =	sbr.rel @p0 .LBB2_1-.Ltmp4, $3  }
0x1c5: {  	[sflag:s0] =	ssyncset.done $0x0  }
0x1c6: {  	[sflag:s0] =	ssyncadd.s32 $0xFFFFD800  }
0x1c7: {  	[bflag:$0x0] =	sbarrier.arrive $0xFFFF;
	_ =	sdelay $0x1  }
0x1c8: {  	_ =	sfence.sel $0x180000  }
0x1c9: {  	[bflag:$0x0] =	sbarrier.arrive $0xFFFF  }
0x1ca: {  	_ =	strace $0x90000047  }
0x1cb: {  	s0 =	stileid.u32;
	[bflag:$0x2] =	sbarrier.arrive $0xFFFF  }
0x1cc: {  	p0 =	sne.s32 s0, $0x0;
	s0 =	rddreg [dreg:$0x4]  }
0x1cd: {  	s0 =	sadd.s32 @!p0 $0x100000, s0  }
0x1ce: {  	[sflag:s0] =	ssyncadd.tile.s32 @!p0 $0x1;
	_ =	shalt  }
.Lfunc_end2:
_tile_overlayer_lowered:
.L_overlay_start_2:
0x1cf: {  	(tag) =	ssettag $0x2  }
0x1d0: {  	s0 =	rddreg [dreg:$0x0];
	s2 =	stileid.u32  }
0x1d1: {  	s1 =	rddreg [dreg:$0x1];
	p0 =	sne.s32 s2, $0x0  }
0x1d2: {  	s3 =	rddreg [dreg:$0x2];
	[bflag:$0x3] =	sbarrier.arrive $0xFFFF;
	s2 =	simm.s32 @!p0 $0x1C03  }
0x1d3: {  	[timem:s3], [sflag:s2] =	dma.local @!p0 [hbm:s0], s1  }
0x1d4: {  	s0 =	simm.s32 @!p0 $0x3  }
0x1d5: {  	_ =	swait.ge @!p0 [sflag:s0], s1  }
0x1d6: {  	s1 =	ssub.s32 @!p0 $0x0, s1;
	[sflag:s0] =	ssyncset.done @!p0 $0x0  }
0x1d7: {  	[sflag:s0] =	ssyncadd.s32 @!p0 s1  }
0x1d8: {  	[bflag:$0x3] =	sbarrier.arrive $0xFFFF  }
0x1d9: {  	_ =	shalt  }

</sc_bundles>
